<compile_context>
chip_gen: v7x
topology: tpu7x:2x2x1
jax: 0.10.2.dev20260603
libtpu: 0.0.44.dev20260713+nightly
codegen_flags: <defaults>
</compile_context>

<pallas_src>
import functools

import jax
import jax.numpy as jnp
from jax import lax
from jax.experimental import pallas as pl
from jax.experimental.pallas import tpu as pltpu
from jax.experimental.pallas import tpu_sc as plsc

EPS = 1e-07
T = 0.07
MOM = 0.5
N_DATA = 100000
K = 4096
KP1 = K + 1
FEAT = 128
BSZ = 256
KPAD = 4224
NC = 2
NS = 16
NW = NC * NS
ROW_BLK = 2000
W_GATHER = 1024
SUB = 128


def _sc_mesh():
    return plsc.VectorSubcoreMesh(core_axis_name="c", subcore_axis_name="s")


def _sc_gather_rows(mem1, mem2, idx):
    rows_per_w = BSZ // NW

    @functools.partial(
        pl.kernel,
        out_type=(
            jax.ShapeDtypeStruct((BSZ, FEAT), jnp.float32),
            jax.ShapeDtypeStruct((BSZ, FEAT), jnp.float32),
        ),
        mesh=_sc_mesh(),
        scratch_types=[
            pltpu.VMEM((rows_per_w,), jnp.int32),
            pltpu.VMEM((rows_per_w, FEAT), jnp.float32),
            pltpu.VMEM((rows_per_w, FEAT), jnp.float32),
            pltpu.SemaphoreType.DMA,
            pltpu.SemaphoreType.DMA,
        ],
    )
    def k(m1_hbm, m2_hbm, idx_hbm, o1_hbm, o2_hbm, idx_v, r1_v, r2_v, s1, s2):
        wid = lax.axis_index("s") * NC + lax.axis_index("c")
        base = wid * rows_per_w
        pltpu.sync_copy(idx_hbm.at[pl.ds(base, rows_per_w)], idx_v)
        c1 = pltpu.async_copy(m1_hbm.at[idx_v], r1_v, s1)
        c2 = pltpu.async_copy(m2_hbm.at[idx_v], r2_v, s2)
        c1.wait()
        c2.wait()
        pltpu.sync_copy(r1_v, o1_hbm.at[pl.ds(base, rows_per_w)])
        pltpu.sync_copy(r2_v, o2_hbm.at[pl.ds(base, rows_per_w)])

    return k(mem1, mem2, idx)


def _embed_body(fs, ft, ws, bs, wt, bt, ic, ir, r1r, r2r, v1o, v2o, d1o, d2o):
    cdims = (((1,), (1,)), ((), ()))
    h1 = lax.dot_general(fs[...], ws[...], cdims,
                         preferred_element_type=jnp.float32) + bs[...]
    v1 = h1 / jnp.sqrt(jnp.sum(h1 * h1, axis=1, keepdims=True))
    h2 = lax.dot_general(ft[...], wt[...], cdims,
                         preferred_element_type=jnp.float32) + bt[...]
    v2 = h2 / jnp.sqrt(jnp.sum(h2 * h2, axis=1, keepdims=True))
    lp1 = r1r[...] * MOM + v1 * (1.0 - MOM)
    lp1 = lp1 / jnp.sqrt(jnp.sum(lp1 * lp1, axis=1, keepdims=True))
    lp2 = r2r[...] * MOM + v2 * (1.0 - MOM)
    lp2 = lp2 / jnp.sqrt(jnp.sum(lp2 * lp2, axis=1, keepdims=True))
    ji = lax.broadcasted_iota(jnp.int32, (BSZ, BSZ), 0)
    jj = lax.broadcasted_iota(jnp.int32, (BSZ, BSZ), 1)
    dup = jnp.logical_and(ic[...] == ir[...], jj > ji)
    alive = 1.0 - jnp.any(dup, axis=1, keepdims=True).astype(jnp.float32)
    v1o[...] = v1.astype(jnp.bfloat16)
    v2o[...] = v2.astype(jnp.bfloat16)
    d1o[...] = ((lp1 - r1r[...]) * alive).astype(jnp.bfloat16)
    d2o[...] = ((lp2 - r2r[...]) * alive).astype(jnp.bfloat16)


def _tc_embed(f_s, f_t, W_s, b_s2, W_t, b_t2, idx_col, idx_row, r1, r2):
    full = lambda s: pl.BlockSpec(s, lambda: (0,) * len(s))
    return pl.pallas_call(
        _embed_body,
        in_specs=[
            full((BSZ, f_s.shape[1])),
            full((BSZ, f_t.shape[1])),
            full((FEAT, f_s.shape[1])),
            full((1, FEAT)),
            full((FEAT, f_t.shape[1])),
            full((1, FEAT)),
            full((BSZ, 1)),
            full((1, BSZ)),
            full((BSZ, FEAT)),
            full((BSZ, FEAT)),
        ],
        out_specs=[
            full((BSZ, FEAT)),
            full((BSZ, FEAT)),
            full((BSZ, FEAT)),
            full((BSZ, FEAT)),
        ],
        out_shape=[
            jax.ShapeDtypeStruct((BSZ, FEAT), jnp.bfloat16),
            jax.ShapeDtypeStruct((BSZ, FEAT), jnp.bfloat16),
            jax.ShapeDtypeStruct((BSZ, FEAT), jnp.bfloat16),
            jax.ShapeDtypeStruct((BSZ, FEAT), jnp.bfloat16),
        ],
    )(f_s, f_t, W_s, b_s2, W_t, b_t2, idx_col, idx_row, r1, r2)


def _pack_words(s1, s2):
    a = lax.bitcast_convert_type(s1, jnp.uint32) + jnp.uint32(0x8000)
    b = lax.bitcast_convert_type(s2, jnp.uint32) + jnp.uint32(0x8000)
    word = (a >> 16) | (b & jnp.uint32(0xFFFF0000))
    return lax.bitcast_convert_type(word, jnp.int32)


def _big_body(idxr_ref, m1_ref, m2_ref, v1_ref, v2_ref, d1_ref, d2_ref,
              n1_ref, n2_ref, sa_ref, sb_ref):
    i = pl.program_id(0)
    m1 = m1_ref[...]
    m2 = m2_ref[...]
    rid = lax.broadcasted_iota(jnp.int32, (ROW_BLK, BSZ), 0) + i * ROW_BLK
    oh = (rid == idxr_ref[...]).astype(jnp.bfloat16)
    cd_oh = (((1,), (0,)), ((), ()))
    n1_ref[...] = m1 + lax.dot_general(oh, d1_ref[...], cd_oh,
                                       preferred_element_type=jnp.float32)
    n2_ref[...] = m2 + lax.dot_general(oh, d2_ref[...], cd_oh,
                                       preferred_element_type=jnp.float32)
    cd_s = (((1,), (1,)), ((), ()))
    m1b = m1.astype(jnp.bfloat16)
    m2b = m2.astype(jnp.bfloat16)
    half = BSZ // 2
    s1a = lax.dot_general(m1b, v2_ref[0:half, :], cd_s,
                          preferred_element_type=jnp.float32)
    s2a = lax.dot_general(m2b, v1_ref[0:half, :], cd_s,
                          preferred_element_type=jnp.float32)
    s1b = lax.dot_general(m1b, v2_ref[half:BSZ, :], cd_s,
                          preferred_element_type=jnp.float32)
    s2b = lax.dot_general(m2b, v1_ref[half:BSZ, :], cd_s,
                          preferred_element_type=jnp.float32)
    sa_ref[...] = _pack_words(s1a, s2a)
    sb_ref[...] = _pack_words(s1b, s2b)


def _tc_big(mem1, mem2, v1b, v2b, d1b, d2b, idx_row):
    nblk = N_DATA // ROW_BLK
    mem_spec = pl.BlockSpec((ROW_BLK, FEAT), lambda i: (i, 0))
    bfull = lambda s: pl.BlockSpec(s, lambda i: (0,) * len(s))
    half = BSZ // 2
    return pl.pallas_call(
        _big_body,
        grid=(nblk,),
        in_specs=[
            bfull((1, BSZ)),
            mem_spec,
            mem_spec,
            bfull((BSZ, FEAT)),
            bfull((BSZ, FEAT)),
            bfull((BSZ, FEAT)),
            bfull((BSZ, FEAT)),
        ],
        out_specs=[
            pl.BlockSpec((ROW_BLK, FEAT), lambda i: (i, 0)),
            pl.BlockSpec((ROW_BLK, FEAT), lambda i: (i, 0)),
            pl.BlockSpec((ROW_BLK, half), lambda i: (i, 0)),
            pl.BlockSpec((ROW_BLK, half), lambda i: (i, 0)),
        ],
        out_shape=[
            jax.ShapeDtypeStruct((N_DATA, FEAT), jnp.float32),
            jax.ShapeDtypeStruct((N_DATA, FEAT), jnp.float32),
            jax.ShapeDtypeStruct((N_DATA, half), jnp.int32),
            jax.ShapeDtypeStruct((N_DATA, half), jnp.int32),
        ],
    )(idx_row, mem1, mem2, v1b, v2b, d1b, d2b)


def _sc_gather_vals(tabA_flat, tabB_flat, ewords):
    ntot = ewords.shape[0]
    per_w = ntot // NW
    w_win = 1408
    n_win = per_w // w_win
    n_sub = w_win // SUB
    n2 = n_win // 2

    @functools.partial(
        pl.kernel,
        out_type=(
            jax.ShapeDtypeStruct((ntot,), jnp.float32),
            jax.ShapeDtypeStruct((ntot,), jnp.float32),
        ),
        mesh=_sc_mesh(),
        scratch_types=[
            pltpu.VMEM((w_win,), jnp.int32),
            pltpu.VMEM((w_win,), jnp.int32),
            pltpu.VMEM((w_win,), jnp.int32),
            pltpu.VMEM((w_win,), jnp.int32),
            pltpu.VMEM((w_win,), jnp.float32),
            pltpu.VMEM((w_win,), jnp.float32),
            pltpu.VMEM((w_win,), jnp.float32),
            pltpu.VMEM((w_win,), jnp.float32),
            pltpu.SemaphoreType.DMA,
            pltpu.SemaphoreType.DMA,
            pltpu.SemaphoreType.DMA,
            pltpu.SemaphoreType.DMA,
            pltpu.SemaphoreType.DMA,
            pltpu.SemaphoreType.DMA,
        ],
    )
    def k(tabA_hbm, tabB_hbm, idx_hbm, o1_hbm, o2_hbm,
          idx0, idx1, w0, w1, g1_0, g2_0, g1_1, g2_1,
          si0, si1, sg0, sg1, so0, so1):
        wid = lax.axis_index("s") * NC + lax.axis_index("c")
        base = wid * per_w

        def fire_gathers(idx_v, w_v, sem):
            @pl.when(wid < NW // 2)
            def _a():
                for s in range(n_sub):
                    pltpu.async_copy(
                        tabA_hbm.at[idx_v.at[pl.ds(s * SUB, SUB)]],
                        w_v.at[pl.ds(s * SUB, SUB)], sem)

            @pl.when(wid >= NW // 2)
            def _b():
                for s in range(n_sub):
                    pltpu.async_copy(
                        tabB_hbm.at[idx_v.at[pl.ds(s * SUB, SUB)]],
                        w_v.at[pl.ds(s * SUB, SUB)], sem)

        def drain_gathers(w_v, sem):
            pltpu.make_async_copy(idx_hbm.at[pl.ds(0, w_win)], w_v, sem).wait()

        def drain_idx(idx_v, sem):
            pltpu.make_async_copy(idx_hbm.at[pl.ds(0, w_win)], idx_v, sem).wait()

        def drain_out(g1_v, g2_v, sem):
            pltpu.make_async_copy(o1_hbm.at[pl.ds(0, w_win)], g1_v, sem).wait()
            pltpu.make_async_copy(o2_hbm.at[pl.ds(0, w_win)], g2_v, sem).wait()

        def extract(w_v, g1_v, g2_v):
            @pl.loop(0, w_win // 16)
            def _ext(q):
                word = w_v[pl.ds(q * 16, 16)]
                g1_v[pl.ds(q * 16, 16)] = lax.bitcast_convert_type(
                    word << 16, jnp.float32)
                g2_v[pl.ds(q * 16, 16)] = lax.bitcast_convert_type(
                    word & jnp.int32(-65536), jnp.float32)

        pltpu.sync_copy(idx_hbm.at[pl.ds(base, w_win)], idx0)
        fire_gathers(idx0, w0, sg0)
        pltpu.async_copy(idx_hbm.at[pl.ds(base + w_win, w_win)], idx1, si1)

        @pl.loop(0, n2)
        def _pair(i):
            a_off = base + (2 * i) * w_win
            b_off = a_off + w_win
            n_off = lax.rem(b_off + w_win, ntot)
            m_off = lax.rem(b_off + 2 * w_win, ntot)

            drain_idx(idx1, si1)
            fire_gathers(idx1, w1, sg1)

            drain_gathers(w0, sg0)
            pltpu.async_copy(idx_hbm.at[pl.ds(n_off, w_win)], idx0, si0)

            @pl.when(i > 0)
            def _dr0():
                drain_out(g1_0, g2_0, so0)

            extract(w0, g1_0, g2_0)
            pltpu.async_copy(g1_0, o1_hbm.at[pl.ds(a_off, w_win)], so0)
            pltpu.async_copy(g2_0, o2_hbm.at[pl.ds(a_off, w_win)], so0)

            drain_idx(idx0, si0)
            fire_gathers(idx0, w0, sg0)

            drain_gathers(w1, sg1)
            pltpu.async_copy(idx_hbm.at[pl.ds(m_off, w_win)], idx1, si1)

            @pl.when(i > 0)
            def _dr1():
                drain_out(g1_1, g2_1, so1)

            extract(w1, g1_1, g2_1)
            pltpu.async_copy(g1_1, o1_hbm.at[pl.ds(b_off, w_win)], so1)
            pltpu.async_copy(g2_1, o2_hbm.at[pl.ds(b_off, w_win)], so1)

        drain_idx(idx1, si1)
        drain_gathers(w0, sg0)
        drain_out(g1_0, g2_0, so0)
        drain_out(g1_1, g2_1, so1)

    return k(tabA_flat, tabB_flat, ewords)


def _loss_body(g1r, g2r, lo):
    c0 = K * (1.0 / N_DATA)
    c = c0 + EPS
    kcol = lax.broadcasted_iota(jnp.int32, (BSZ, KPAD), 1)
    valid = kcol < KP1
    tot = jnp.float32(0.0)
    for gr in (g2r, g1r):
        e = jnp.exp(gr[...] * (1.0 / T))
        e = jnp.where(valid, e, 0.0)
        z = jnp.sum(e) * (float(N_DATA) / (BSZ * KP1))
        px = e / z
        term = jnp.where(kcol == 0,
                         jnp.log(px / (px + c)),
                         jnp.log(c0 / (px + c)))
        term = jnp.where(valid, term, 0.0)
        tot = tot + (-jnp.sum(term) / BSZ)
    lo[...] = jnp.reshape(tot, (1, 1))


def _tc_loss(g1, g2):
    full = lambda s: pl.BlockSpec(s, lambda: (0,) * len(s))
    return pl.pallas_call(
        _loss_body,
        in_specs=[full((BSZ, KPAD)), full((BSZ, KPAD))],
        out_specs=full((1, 1)),
        out_shape=jax.ShapeDtypeStruct((1, 1), jnp.float32),
    )(g1, g2)


def kernel(f_s, f_t, idx, contrast_idx, W_s, b_s, W_t, b_t,
           memory_v1, memory_v2):
    idx32 = idx.astype(jnp.int32)
    cidx = contrast_idx.astype(jnp.int32)
    cpad = jnp.pad(cidx, ((0, 0), (0, KPAD - KP1)))
    half = BSZ // 2
    bmod = jnp.arange(BSZ, dtype=jnp.int32)[:, None] % half
    e_word = cpad * half + bmod
    ewords = e_word.reshape(BSZ * KPAD)

    r1, r2 = _sc_gather_rows(memory_v1, memory_v2, idx32)
    v1b, v2b, d1b, d2b = _tc_embed(
        f_s, f_t, W_s, b_s[None, :], W_t, b_t[None, :],
        idx32[:, None], idx32[None, :], r1, r2)
    new_m1, new_m2, sA, sB = _tc_big(
        memory_v1, memory_v2, v1b, v2b, d1b, d2b, idx32[None, :])
    g1f, g2f = _sc_gather_vals(sA.reshape(N_DATA * half),
                               sB.reshape(N_DATA * half), ewords)
    loss = _tc_loss(g1f.reshape(BSZ, KPAD), g2f.reshape(BSZ, KPAD))
    return loss.reshape(1), new_m1, new_m2

# --- scband reference (transcript-rebuilt; emitter-appended) ---
"""Pipeline reference for scband-crdloss-14370960572549 (READ-ONLY COPY).

The authoritative reference and input builder live on the scoring server;
editing this copy changes nothing except your own understanding.
"""

import jax, jax.numpy as jnp
import numpy as np

EPS = 1e-07
T = 0.07
MOM = 0.5
N_DATA = 100000
K = 4096
FEAT_DIM = 128
S_DIM = 1024
T_DIM = 2048
BSZ = 256


def setup_inputs(seed: int = 0):
    key = jax.random.key(seed)
    ks = jax.random.split(key, 10)
    f_s = jax.random.normal(ks[0], (BSZ, S_DIM), dtype=jnp.float32)
    f_t = jax.random.normal(ks[1], (BSZ, T_DIM), dtype=jnp.float32)
    idx = jax.random.randint(ks[2], (BSZ,), 0, N_DATA)
    contrast_idx = jax.random.randint(ks[3], (BSZ, K + 1), 0, N_DATA)
    W_s = jax.random.normal(ks[4], (FEAT_DIM, S_DIM), dtype=jnp.float32) * (1.0 / np.sqrt(S_DIM))
    b_s = jnp.zeros((FEAT_DIM,), dtype=jnp.float32)
    W_t = jax.random.normal(ks[5], (FEAT_DIM, T_DIM), dtype=jnp.float32) * (1.0 / np.sqrt(T_DIM))
    b_t = jnp.zeros((FEAT_DIM,), dtype=jnp.float32)
    stdv = 1.0 / np.sqrt(FEAT_DIM / 3.0)
    memory_v1 = jax.random.uniform(ks[6], (N_DATA, FEAT_DIM), dtype=jnp.float32, minval=-stdv, maxval=stdv)
    memory_v2 = jax.random.uniform(ks[7], (N_DATA, FEAT_DIM), dtype=jnp.float32, minval=-stdv, maxval=stdv)
    return {"f_s": f_s, "f_t": f_t, "idx": idx, "contrast_idx": contrast_idx,
            "W_s": W_s, "b_s": b_s, "W_t": W_t, "b_t": b_t,
            "memory_v1": memory_v1, "memory_v2": memory_v2}


def _embed(x, W, b):
    h = x.reshape(x.shape[0], -1) @ W.T + b
    norm = jnp.power(jnp.sum(jnp.power(h, 2.0), axis=1, keepdims=True), 0.5)
    return h / norm


def _contrast_loss(x, n_data):
    bsz = x.shape[0]
    m = x.shape[1] - 1
    Pn = 1.0 / float(n_data)
    P_pos = x[:, 0]
    log_D1 = jnp.log(P_pos / (P_pos + m * Pn + EPS))
    P_neg = x[:, 1:]
    log_D0 = jnp.log((m * Pn) / (P_neg + m * Pn + EPS))
    loss = -(jnp.sum(log_D1, axis=0) + jnp.sum(log_D0.reshape(-1, 1), axis=0)) / bsz
    return loss


def reference(f_s, f_t, idx, contrast_idx, W_s, b_s, W_t, b_t, memory_v1, memory_v2):
    v1 = _embed(f_s, W_s, b_s)
    v2 = _embed(f_t, W_t, b_t)
    bsz = v1.shape[0]
    out_size, in_size = memory_v1.shape
    flat_idx = contrast_idx.reshape(-1)
    # detached gathers from memory banks (torch: index_select(...).detach())
    w1 = jax.lax.stop_gradient(jnp.take(memory_v1, flat_idx, axis=0)).reshape(bsz, -1, in_size)
    out_v2 = jnp.exp(jnp.einsum('bki,bi->bk', w1, v2)[..., None] / T)
    w2 = jax.lax.stop_gradient(jnp.take(memory_v2, flat_idx, axis=0)).reshape(bsz, -1, in_size)
    out_v1 = jnp.exp(jnp.einsum('bki,bi->bk', w2, v1)[..., None] / T)
    # first-call normalization constants Z (params start at -1 in torch)
    Z_v1 = jax.lax.stop_gradient(jnp.mean(out_v1)) * out_size
    Z_v2 = jax.lax.stop_gradient(jnp.mean(out_v2)) * out_size
    out_v1 = out_v1 / Z_v1
    out_v2 = out_v2 / Z_v2
    # no-grad momentum memory update + scatter-overwrite (torch index_copy_)
    l_pos1 = jax.lax.stop_gradient(jnp.take(memory_v1, idx, axis=0) * MOM + v1 * (1.0 - MOM))
    l_pos1 = l_pos1 / jnp.power(jnp.sum(jnp.power(l_pos1, 2.0), axis=1, keepdims=True), 0.5)
    new_memory_v1 = memory_v1.at[idx].set(l_pos1)
    l_pos2 = jax.lax.stop_gradient(jnp.take(memory_v2, idx, axis=0) * MOM + v2 * (1.0 - MOM))
    l_pos2 = l_pos2 / jnp.power(jnp.sum(jnp.power(l_pos2, 2.0), axis=1, keepdims=True), 0.5)
    new_memory_v2 = memory_v2.at[idx].set(l_pos2)
    s_loss = _contrast_loss(out_v1, N_DATA)
    t_loss = _contrast_loss(out_v2, N_DATA)
    loss = s_loss + t_loss
    return loss, new_memory_v1, new_memory_v2

if __name__ == "__main__":
    import jax
    _d = setup_inputs()
    print(jax.jit(kernel)(*tuple(_d.values())))

</pallas_src>

<mosaic_0001>
#map = affine_map<(d0, d1) -> (0)>
module attributes {stable_mosaic.version = 14 : i64} {
  func.func @k(%arg0: i32, %arg1: i32, %arg2: memref<12800000xi32, #tpu.memory_space<hbm>>, %arg3: memref<12800000xi32, #tpu.memory_space<hbm>>, %arg4: memref<1081344xi32, #tpu.memory_space<hbm>>, %arg5: memref<1081344xf32, #tpu.memory_space<hbm>>, %arg6: memref<1081344xf32, #tpu.memory_space<hbm>>, %arg7: memref<1408xi32, #tpu.memory_space<vmem>>, %arg8: memref<1408xi32, #tpu.memory_space<vmem>>, %arg9: memref<1408xi32, #tpu.memory_space<vmem>>, %arg10: memref<1408xi32, #tpu.memory_space<vmem>>, %arg11: memref<1408xf32, #tpu.memory_space<vmem>>, %arg12: memref<1408xf32, #tpu.memory_space<vmem>>, %arg13: memref<1408xf32, #tpu.memory_space<vmem>>, %arg14: memref<1408xf32, #tpu.memory_space<vmem>>, %arg15: memref<!tpu.dma_semaphore, #tpu.memory_space<semaphore_mem>>, %arg16: memref<!tpu.dma_semaphore, #tpu.memory_space<semaphore_mem>>, %arg17: memref<!tpu.dma_semaphore, #tpu.memory_space<semaphore_mem>>, %arg18: memref<!tpu.dma_semaphore, #tpu.memory_space<semaphore_mem>>, %arg19: memref<!tpu.dma_semaphore, #tpu.memory_space<semaphore_mem>>, %arg20: memref<!tpu.dma_semaphore, #tpu.memory_space<semaphore_mem>>) attributes {dimension_semantics = [#tpu.dimension_semantics<core_parallel>, #tpu.dimension_semantics<subcore_parallel>], iteration_bounds = array<i64: 2, 16>, scalar_prefetch = 0 : i64, scratch_operands = 14 : i64, tpu.core_type = #tpu.core_type<sc_vector_subcore>, window_params = [{transform_indices = #map}, {transform_indices = #map}, {transform_indices = #map}, {transform_indices = #map}, {transform_indices = #map}]} {
    %mul3A = arith.constant 2 : i32
    %mul3A_0 = arith.muli %arg1, %mul3A : i32
    %add3A = arith.addi %mul3A_0, %arg0 : i32
    %mul3A_1 = arith.constant 33792 : i32
    %mul3A_2 = arith.muli %add3A, %mul3A_1 : i32
    "tpu.region"() ({
      %run_scoped3A = tpu.sem_alloc : memref<!tpu.dma_semaphore, #tpu.memory_space<semaphore_mem>>
      %dma_start3A_39 = tpu.memref_slice %arg4[%mul3A_2] : memref<1081344xi32, #tpu.memory_space<hbm>> -> memref<1408xi32, #tpu.memory_space<hbm>>
      %dma_start3A_40 = tpu.memref_slice %arg4[%mul3A_2] : memref<1081344xi32, #tpu.memory_space<hbm>> -> memref<1408xi32, #tpu.memory_space<hbm>>
      tpu.enqueue_dma source(%dma_start3A_40 : memref<1408xi32, #tpu.memory_space<hbm>>) target(%arg7 : memref<1408xi32, #tpu.memory_space<vmem>>) target_semaphore(%run_scoped3A : memref<!tpu.dma_semaphore, #tpu.memory_space<semaphore_mem>>)
      %dma_wait3A_41 = tpu.memref_slice %arg4[%mul3A_2] : memref<1081344xi32, #tpu.memory_space<hbm>> -> memref<1408xi32, #tpu.memory_space<hbm>>
      %dma_wait3A_42 = tpu.memref_slice %arg4[%mul3A_2] : memref<1081344xi32, #tpu.memory_space<hbm>> -> memref<1408xi32, #tpu.memory_space<hbm>>
      tpu.wait_dma2 semaphore(%run_scoped3A : memref<!tpu.dma_semaphore, #tpu.memory_space<semaphore_mem>>) src(%dma_wait3A_42 : memref<1408xi32, #tpu.memory_space<hbm>>) dst(%arg7 : memref<1408xi32, #tpu.memory_space<vmem>>)
      tpu.yield
    }) : () -> ()
    %lt3A = arith.constant 16 : i32
    %lt3A_3 = arith.cmpi slt, %add3A, %lt3A : i32
    %convert_element_type3A = arith.extui %lt3A_3 : i1 to i32
    %cond3A = arith.constant 0 : i32
    %cond3A_4 = arith.cmpi ne, %convert_element_type3A, %cond3A : i32
    scf.if %cond3A_4 {
      %dma_start3A_39 = arith.constant 0 : i32
      %dma_start3A_40 = tpu.memref_slice %arg9[%dma_start3A_39] : memref<1408xi32, #tpu.memory_space<vmem>> -> memref<128xi32, #tpu.memory_space<vmem>>
      %dma_start3A_41 = arith.constant 0 : i32
      %dma_start3A_42 = tpu.memref_slice %arg7[%dma_start3A_41] : memref<1408xi32, #tpu.memory_space<vmem>> -> memref<128xi32, #tpu.memory_space<vmem>>
      %dma_start3A_43 = arith.constant 0 : i32
      %dma_start3A_44 = tpu.memref_slice %arg2[%dma_start3A_43] : memref<12800000xi32, #tpu.memory_space<hbm>> -> memref<12800000xi32, #tpu.memory_space<hbm>>
      tpu.enqueue_indirect_dma source(%dma_start3A_44 : memref<12800000xi32, #tpu.memory_space<hbm>>) target(%dma_start3A_40 : memref<128xi32, #tpu.memory_space<vmem>>) offsets(%dma_start3A_42 : memref<128xi32, #tpu.memory_space<vmem>>) semaphore(%arg17 : memref<!tpu.dma_semaphore, #tpu.memory_space<semaphore_mem>>)
      %dma_start3A_45 = arith.constant 128 : i32
      %dma_start3A_46 = tpu.memref_slice %arg9[%dma_start3A_45] : memref<1408xi32, #tpu.memory_space<vmem>> -> memref<128xi32, #tpu.memory_space<vmem>>
      %dma_start3A_47 = arith.constant 128 : i32
      %dma_start3A_48 = tpu.memref_slice %arg7[%dma_start3A_47] : memref<1408xi32, #tpu.memory_space<vmem>> -> memref<128xi32, #tpu.memory_space<vmem>>
      %dma_start3A_49 = arith.constant 0 : i32
      %dma_start3A_50 = tpu.memref_slice %arg2[%dma_start3A_49] : memref<12800000xi32, #tpu.memory_space<hbm>> -> memref<12800000xi32, #tpu.memory_space<hbm>>
      tpu.enqueue_indirect_dma source(%dma_start3A_50 : memref<12800000xi32, #tpu.memory_space<hbm>>) target(%dma_start3A_46 : memref<128xi32, #tpu.memory_space<vmem>>) offsets(%dma_start3A_48 : memref<128xi32, #tpu.memory_space<vmem>>) semaphore(%arg17 : memref<!tpu.dma_semaphore, #tpu.memory_space<semaphore_mem>>)
      %dma_start3A_51 = arith.constant 256 : i32
      %dma_start3A_52 = tpu.memref_slice %arg9[%dma_start3A_51] : memref<1408xi32, #tpu.memory_space<vmem>> -> memref<128xi32, #tpu.memory_space<vmem>>
      %dma_start3A_53 = arith.constant 256 : i32
      %dma_start3A_54 = tpu.memref_slice %arg7[%dma_start3A_53] : memref<1408xi32, #tpu.memory_space<vmem>> -> memref<128xi32, #tpu.memory_space<vmem>>
      %dma_start3A_55 = arith.constant 0 : i32
      %dma_start3A_56 = tpu.memref_slice %arg2[%dma_start3A_55] : memref<12800000xi32, #tpu.memory_space<hbm>> -> memref<12800000xi32, #tpu.memory_space<hbm>>
      tpu.enqueue_indirect_dma source(%dma_start3A_56 : memref<12800000xi32, #tpu.memory_space<hbm>>) target(%dma_start3A_52 : memref<128xi32, #tpu.memory_space<vmem>>) offsets(%dma_start3A_54 : memref<128xi32, #tpu.memory_space<vmem>>) semaphore(%arg17 : memref<!tpu.dma_semaphore, #tpu.memory_space<semaphore_mem>>)
      %dma_start3A_57 = arith.constant 384 : i32
      %dma_start3A_58 = tpu.memref_slice %arg9[%dma_start3A_57] : memref<1408xi32, #tpu.memory_space<vmem>> -> memref<128xi32, #tpu.memory_space<vmem>>
      %dma_start3A_59 = arith.constant 384 : i32
      %dma_start3A_60 = tpu.memref_slice %arg7[%dma_start3A_59] : memref<1408xi32, #tpu.memory_space<vmem>> -> memref<128xi32, #tpu.memory_space<vmem>>
      %dma_start3A_61 = arith.constant 0 : i32
      %dma_start3A_62 = tpu.memref_slice %arg2[%dma_start3A_61] : memref<12800000xi32, #tpu.memory_space<hbm>> -> memref<12800000xi32, #tpu.memory_space<hbm>>
      tpu.enqueue_indirect_dma source(%dma_start3A_62 : memref<12800000xi32, #tpu.memory_space<hbm>>) target(%dma_start3A_58 : memref<128xi32, #tpu.memory_space<vmem>>) offsets(%dma_start3A_60 : memref<128xi32, #tpu.memory_space<vmem>>) semaphore(%arg17 : memref<!tpu.dma_semaphore, #tpu.memory_space<semaphore_mem>>)
      %dma_start3A_63 = arith.constant 512 : i32
      %dma_start3A_64 = tpu.memref_slice %arg9[%dma_start3A_63] : memref<1408xi32, #tpu.memory_space<vmem>> -> memref<128xi32, #tpu.memory_space<vmem>>
      %dma_start3A_65 = arith.constant 512 : i32
      %dma_start3A_66 = tpu.memref_slice %arg7[%dma_start3A_65] : memref<1408xi32, #tpu.memory_space<vmem>> -> memref<128xi32, #tpu.memory_space<vmem>>
      %dma_start3A_67 = arith.constant 0 : i32
      %dma_start3A_68 = tpu.memref_slice %arg2[%dma_start3A_67] : memref<12800000xi32, #tpu.memory_space<hbm>> -> memref<12800000xi32, #tpu.memory_space<hbm>>
      tpu.enqueue_indirect_dma source(%dma_start3A_68 : memref<12800000xi32, #tpu.memory_space<hbm>>) target(%dma_start3A_64 : memref<128xi32, #tpu.memory_space<vmem>>) offsets(%dma_start3A_66 : memref<128xi32, #tpu.memory_space<vmem>>) semaphore(%arg17 : memref<!tpu.dma_semaphore, #tpu.memory_space<semaphore_mem>>)
      %dma_start3A_69 = arith.constant 640 : i32
      %dma_start3A_70 = tpu.memref_slice %arg9[%dma_start3A_69] : memref<1408xi32, #tpu.memory_space<vmem>> -> memref<128xi32, #tpu.memory_space<vmem>>
      %dma_start3A_71 = arith.constant 640 : i32
      %dma_start3A_72 = tpu.memref_slice %arg7[%dma_start3A_71] : memref<1408xi32, #tpu.memory_space<vmem>> -> memref<128xi32, #tpu.memory_space<vmem>>
      %dma_start3A_73 = arith.constant 0 : i32
      %dma_start3A_74 = tpu.memref_slice %arg2[%dma_start3A_73] : memref<12800000xi32, #tpu.memory_space<hbm>> -> memref<12800000xi32, #tpu.memory_space<hbm>>
      tpu.enqueue_indirect_dma source(%dma_start3A_74 : memref<12800000xi32, #tpu.memory_space<hbm>>) target(%dma_start3A_70 : memref<128xi32, #tpu.memory_space<vmem>>) offsets(%dma_start3A_72 : memref<128xi32, #tpu.memory_space<vmem>>) semaphore(%arg17 : memref<!tpu.dma_semaphore, #tpu.memory_space<semaphore_mem>>)
      %dma_start3A_75 = arith.constant 768 : i32
      %dma_start3A_76 = tpu.memref_slice %arg9[%dma_start3A_75] : memref<1408xi32, #tpu.memory_space<vmem>> -> memref<128xi32, #tpu.memory_space<vmem>>
      %dma_start3A_77 = arith.constant 768 : i32
      %dma_start3A_78 = tpu.memref_slice %arg7[%dma_start3A_77] : memref<1408xi32, #tpu.memory_space<vmem>> -> memref<128xi32, #tpu.memory_space<vmem>>
      %dma_start3A_79 = arith.constant 0 : i32
      %dma_start3A_80 = tpu.memref_slice %arg2[%dma_start3A_79] : memref<12800000xi32, #tpu.memory_space<hbm>> -> memref<12800000xi32, #tpu.memory_space<hbm>>
      tpu.enqueue_indirect_dma source(%dma_start3A_80 : memref<12800000xi32, #tpu.memory_space<hbm>>) target(%dma_start3A_76 : memref<128xi32, #tpu.memory_space<vmem>>) offsets(%dma_start3A_78 : memref<128xi32, #tpu.memory_space<vmem>>) semaphore(%arg17 : memref<!tpu.dma_semaphore, #tpu.memory_space<semaphore_mem>>)
      %dma_start3A_81 = arith.constant 896 : i32
      %dma_start3A_82 = tpu.memref_slice %arg9[%dma_start3A_81] : memref<1408xi32, #tpu.memory_space<vmem>> -> memref<128xi32, #tpu.memory_space<vmem>>
      %dma_start3A_83 = arith.constant 896 : i32
      %dma_start3A_84 = tpu.memref_slice %arg7[%dma_start3A_83] : memref<1408xi32, #tpu.memory_space<vmem>> -> memref<128xi32, #tpu.memory_space<vmem>>
      %dma_start3A_85 = arith.constant 0 : i32
      %dma_start3A_86 = tpu.memref_slice %arg2[%dma_start3A_85] : memref<12800000xi32, #tpu.memory_space<hbm>> -> memref<12800000xi32, #tpu.memory_space<hbm>>
      tpu.enqueue_indirect_dma source(%dma_start3A_86 : memref<12800000xi32, #tpu.memory_space<hbm>>) target(%dma_start3A_82 : memref<128xi32, #tpu.memory_space<vmem>>) offsets(%dma_start3A_84 : memref<128xi32, #tpu.memory_space<vmem>>) semaphore(%arg17 : memref<!tpu.dma_semaphore, #tpu.memory_space<semaphore_mem>>)
      %dma_start3A_87 = arith.constant 1024 : i32
      %dma_start3A_88 = tpu.memref_slice %arg9[%dma_start3A_87] : memref<1408xi32, #tpu.memory_space<vmem>> -> memref<128xi32, #tpu.memory_space<vmem>>
      %dma_start3A_89 = arith.constant 1024 : i32
      %dma_start3A_90 = tpu.memref_slice %arg7[%dma_start3A_89] : memref<1408xi32, #tpu.memory_space<vmem>> -> memref<128xi32, #tpu.memory_space<vmem>>
      %dma_start3A_91 = arith.constant 0 : i32
      %dma_start3A_92 = tpu.memref_slice %arg2[%dma_start3A_91] : memref<12800000xi32, #tpu.memory_space<hbm>> -> memref<12800000xi32, #tpu.memory_space<hbm>>
      tpu.enqueue_indirect_dma source(%dma_start3A_92 : memref<12800000xi32, #tpu.memory_space<hbm>>) target(%dma_start3A_88 : memref<128xi32, #tpu.memory_space<vmem>>) offsets(%dma_start3A_90 : memref<128xi32, #tpu.memory_space<vmem>>) semaphore(%arg17 : memref<!tpu.dma_semaphore, #tpu.memory_space<semaphore_mem>>)
      %dma_start3A_93 = arith.constant 1152 : i32
      %dma_start3A_94 = tpu.memref_slice %arg9[%dma_start3A_93] : memref<1408xi32, #tpu.memory_space<vmem>> -> memref<128xi32, #tpu.memory_space<vmem>>
      %dma_start3A_95 = arith.constant 1152 : i32
      %dma_start3A_96 = tpu.memref_slice %arg7[%dma_start3A_95] : memref<1408xi32, #tpu.memory_space<vmem>> -> memref<128xi32, #tpu.memory_space<vmem>>
      %dma_start3A_97 = arith.constant 0 : i32
      %dma_start3A_98 = tpu.memref_slice %arg2[%dma_start3A_97] : memref<12800000xi32, #tpu.memory_space<hbm>> -> memref<12800000xi32, #tpu.memory_space<hbm>>
      tpu.enqueue_indirect_dma source(%dma_start3A_98 : memref<12800000xi32, #tpu.memory_space<hbm>>) target(%dma_start3A_94 : memref<128xi32, #tpu.memory_space<vmem>>) offsets(%dma_start3A_96 : memref<128xi32, #tpu.memory_space<vmem>>) semaphore(%arg17 : memref<!tpu.dma_semaphore, #tpu.memory_space<semaphore_mem>>)
      %dma_start3A_99 = arith.constant 1280 : i32
      %dma_start3A_100 = tpu.memref_slice %arg9[%dma_start3A_99] : memref<1408xi32, #tpu.memory_space<vmem>> -> memref<128xi32, #tpu.memory_space<vmem>>
      %dma_start3A_101 = arith.constant 1280 : i32
      %dma_start3A_102 = tpu.memref_slice %arg7[%dma_start3A_101] : memref<1408xi32, #tpu.memory_space<vmem>> -> memref<128xi32, #tpu.memory_space<vmem>>
      %dma_start3A_103 = arith.constant 0 : i32
      %dma_start3A_104 = tpu.memref_slice %arg2[%dma_start3A_103] : memref<12800000xi32, #tpu.memory_space<hbm>> -> memref<12800000xi32, #tpu.memory_space<hbm>>
      tpu.enqueue_indirect_dma source(%dma_start3A_104 : memref<12800000xi32, #tpu.memory_space<hbm>>) target(%dma_start3A_100 : memref<128xi32, #tpu.memory_space<vmem>>) offsets(%dma_start3A_102 : memref<128xi32, #tpu.memory_space<vmem>>) semaphore(%arg17 : memref<!tpu.dma_semaphore, #tpu.memory_space<semaphore_mem>>)
    } else {
    }
    %ge3A = arith.constant 16 : i32
    %ge3A_5 = arith.cmpi sge, %add3A, %ge3A : i32
    %convert_element_type3A_6 = arith.extui %ge3A_5 : i1 to i32
    %cond3A_7 = arith.constant 0 : i32
    %cond3A_8 = arith.cmpi ne, %convert_element_type3A_6, %cond3A_7 : i32
    scf.if %cond3A_8 {
      %dma_start3A_39 = arith.constant 0 : i32
      %dma_start3A_40 = tpu.memref_slice %arg9[%dma_start3A_39] : memref<1408xi32, #tpu.memory_space<vmem>> -> memref<128xi32, #tpu.memory_space<vmem>>
      %dma_start3A_41 = arith.constant 0 : i32
      %dma_start3A_42 = tpu.memref_slice %arg7[%dma_start3A_41] : memref<1408xi32, #tpu.memory_space<vmem>> -> memref<128xi32, #tpu.memory_space<vmem>>
      %dma_start3A_43 = arith.constant 0 : i32
      %dma_start3A_44 = tpu.memref_slice %arg3[%dma_start3A_43] : memref<12800000xi32, #tpu.memory_space<hbm>> -> memref<12800000xi32, #tpu.memory_space<hbm>>
      tpu.enqueue_indirect_dma source(%dma_start3A_44 : memref<12800000xi32, #tpu.memory_space<hbm>>) target(%dma_start3A_40 : memref<128xi32, #tpu.memory_space<vmem>>) offsets(%dma_start3A_42 : memref<128xi32, #tpu.memory_space<vmem>>) semaphore(%arg17 : memref<!tpu.dma_semaphore, #tpu.memory_space<semaphore_mem>>)
      %dma_start3A_45 = arith.constant 128 : i32
      %dma_start3A_46 = tpu.memref_slice %arg9[%dma_start3A_45] : memref<1408xi32, #tpu.memory_space<vmem>> -> memref<128xi32, #tpu.memory_space<vmem>>
      %dma_start3A_47 = arith.constant 128 : i32
      %dma_start3A_48 = tpu.memref_slice %arg7[%dma_start3A_47] : memref<1408xi32, #tpu.memory_space<vmem>> -> memref<128xi32, #tpu.memory_space<vmem>>
      %dma_start3A_49 = arith.constant 0 : i32
      %dma_start3A_50 = tpu.memref_slice %arg3[%dma_start3A_49] : memref<12800000xi32, #tpu.memory_space<hbm>> -> memref<12800000xi32, #tpu.memory_space<hbm>>
      tpu.enqueue_indirect_dma source(%dma_start3A_50 : memref<12800000xi32, #tpu.memory_space<hbm>>) target(%dma_start3A_46 : memref<128xi32, #tpu.memory_space<vmem>>) offsets(%dma_start3A_48 : memref<128xi32, #tpu.memory_space<vmem>>) semaphore(%arg17 : memref<!tpu.dma_semaphore, #tpu.memory_space<semaphore_mem>>)
      %dma_start3A_51 = arith.constant 256 : i32
      %dma_start3A_52 = tpu.memref_slice %arg9[%dma_start3A_51] : memref<1408xi32, #tpu.memory_space<vmem>> -> memref<128xi32, #tpu.memory_space<vmem>>
      %dma_start3A_53 = arith.constant 256 : i32
      %dma_start3A_54 = tpu.memref_slice %arg7[%dma_start3A_53] : memref<1408xi32, #tpu.memory_space<vmem>> -> memref<128xi32, #tpu.memory_space<vmem>>
      %dma_start3A_55 = arith.constant 0 : i32
      %dma_start3A_56 = tpu.memref_slice %arg3[%dma_start3A_55] : memref<12800000xi32, #tpu.memory_space<hbm>> -> memref<12800000xi32, #tpu.memory_space<hbm>>
      tpu.enqueue_indirect_dma source(%dma_start3A_56 : memref<12800000xi32, #tpu.memory_space<hbm>>) target(%dma_start3A_52 : memref<128xi32, #tpu.memory_space<vmem>>) offsets(%dma_start3A_54 : memref<128xi32, #tpu.memory_space<vmem>>) semaphore(%arg17 : memref<!tpu.dma_semaphore, #tpu.memory_space<semaphore_mem>>)
      %dma_start3A_57 = arith.constant 384 : i32
      %dma_start3A_58 = tpu.memref_slice %arg9[%dma_start3A_57] : memref<1408xi32, #tpu.memory_space<vmem>> -> memref<128xi32, #tpu.memory_space<vmem>>
      %dma_start3A_59 = arith.constant 384 : i32
      %dma_start3A_60 = tpu.memref_slice %arg7[%dma_start3A_59] : memref<1408xi32, #tpu.memory_space<vmem>> -> memref<128xi32, #tpu.memory_space<vmem>>
      %dma_start3A_61 = arith.constant 0 : i32
      %dma_start3A_62 = tpu.memref_slice %arg3[%dma_start3A_61] : memref<12800000xi32, #tpu.memory_space<hbm>> -> memref<12800000xi32, #tpu.memory_space<hbm>>
      tpu.enqueue_indirect_dma source(%dma_start3A_62 : memref<12800000xi32, #tpu.memory_space<hbm>>) target(%dma_start3A_58 : memref<128xi32, #tpu.memory_space<vmem>>) offsets(%dma_start3A_60 : memref<128xi32, #tpu.memory_space<vmem>>) semaphore(%arg17 : memref<!tpu.dma_semaphore, #tpu.memory_space<semaphore_mem>>)
      %dma_start3A_63 = arith.constant 512 : i32
      %dma_start3A_64 = tpu.memref_slice %arg9[%dma_start3A_63] : memref<1408xi32, #tpu.memory_space<vmem>> -> memref<128xi32, #tpu.memory_space<vmem>>
      %dma_start3A_65 = arith.constant 512 : i32
      %dma_start3A_66 = tpu.memref_slice %arg7[%dma_start3A_65] : memref<1408xi32, #tpu.memory_space<vmem>> -> memref<128xi32, #tpu.memory_space<vmem>>
      %dma_start3A_67 = arith.constant 0 : i32
      %dma_start3A_68 = tpu.memref_slice %arg3[%dma_start3A_67] : memref<12800000xi32, #tpu.memory_space<hbm>> -> memref<12800000xi32, #tpu.memory_space<hbm>>
      tpu.enqueue_indirect_dma source(%dma_start3A_68 : memref<12800000xi32, #tpu.memory_space<hbm>>) target(%dma_start3A_64 : memref<128xi32, #tpu.memory_space<vmem>>) offsets(%dma_start3A_66 : memref<128xi32, #tpu.memory_space<vmem>>) semaphore(%arg17 : memref<!tpu.dma_semaphore, #tpu.memory_space<semaphore_mem>>)
      %dma_start3A_69 = arith.constant 640 : i32
      %dma_start3A_70 = tpu.memref_slice %arg9[%dma_start3A_69] : memref<1408xi32, #tpu.memory_space<vmem>> -> memref<128xi32, #tpu.memory_space<vmem>>
      %dma_start3A_71 = arith.constant 640 : i32
      %dma_start3A_72 = tpu.memref_slice %arg7[%dma_start3A_71] : memref<1408xi32, #tpu.memory_space<vmem>> -> memref<128xi32, #tpu.memory_space<vmem>>
      %dma_start3A_73 = arith.constant 0 : i32
      %dma_start3A_74 = tpu.memref_slice %arg3[%dma_start3A_73] : memref<12800000xi32, #tpu.memory_space<hbm>> -> memref<12800000xi32, #tpu.memory_space<hbm>>
      tpu.enqueue_indirect_dma source(%dma_start3A_74 : memref<12800000xi32, #tpu.memory_space<hbm>>) target(%dma_start3A_70 : memref<128xi32, #tpu.memory_space<vmem>>) offsets(%dma_start3A_72 : memref<128xi32, #tpu.memory_space<vmem>>) semaphore(%arg17 : memref<!tpu.dma_semaphore, #tpu.memory_space<semaphore_mem>>)
      %dma_start3A_75 = arith.constant 768 : i32
      %dma_start3A_76 = tpu.memref_slice %arg9[%dma_start3A_75] : memref<1408xi32, #tpu.memory_space<vmem>> -> memref<128xi32, #tpu.memory_space<vmem>>
      %dma_start3A_77 = arith.constant 768 : i32
      %dma_start3A_78 = tpu.memref_slice %arg7[%dma_start3A_77] : memref<1408xi32, #tpu.memory_space<vmem>> -> memref<128xi32, #tpu.memory_space<vmem>>
      %dma_start3A_79 = arith.constant 0 : i32
      %dma_start3A_80 = tpu.memref_slice %arg3[%dma_start3A_79] : memref<12800000xi32, #tpu.memory_space<hbm>> -> memref<12800000xi32, #tpu.memory_space<hbm>>
      tpu.enqueue_indirect_dma source(%dma_start3A_80 : memref<12800000xi32, #tpu.memory_space<hbm>>) target(%dma_start3A_76 : memref<128xi32, #tpu.memory_space<vmem>>) offsets(%dma_start3A_78 : memref<128xi32, #tpu.memory_space<vmem>>) semaphore(%arg17 : memref<!tpu.dma_semaphore, #tpu.memory_space<semaphore_mem>>)
      %dma_start3A_81 = arith.constant 896 : i32
      %dma_start3A_82 = tpu.memref_slice %arg9[%dma_start3A_81] : memref<1408xi32, #tpu.memory_space<vmem>> -> memref<128xi32, #tpu.memory_space<vmem>>
      %dma_start3A_83 = arith.constant 896 : i32
      %dma_start3A_84 = tpu.memref_slice %arg7[%dma_start3A_83] : memref<1408xi32, #tpu.memory_space<vmem>> -> memref<128xi32, #tpu.memory_space<vmem>>
      %dma_start3A_85 = arith.constant 0 : i32
      %dma_start3A_86 = tpu.memref_slice %arg3[%dma_start3A_85] : memref<12800000xi32, #tpu.memory_space<hbm>> -> memref<12800000xi32, #tpu.memory_space<hbm>>
      tpu.enqueue_indirect_dma source(%dma_start3A_86 : memref<12800000xi32, #tpu.memory_space<hbm>>) target(%dma_start3A_82 : memref<128xi32, #tpu.memory_space<vmem>>) offsets(%dma_start3A_84 : memref<128xi32, #tpu.memory_space<vmem>>) semaphore(%arg17 : memref<!tpu.dma_semaphore, #tpu.memory_space<semaphore_mem>>)
      %dma_start3A_87 = arith.constant 1024 : i32
      %dma_start3A_88 = tpu.memref_slice %arg9[%dma_start3A_87] : memref<1408xi32, #tpu.memory_space<vmem>> -> memref<128xi32, #tpu.memory_space<vmem>>
      %dma_start3A_89 = arith.constant 1024 : i32
      %dma_start3A_90 = tpu.memref_slice %arg7[%dma_start3A_89] : memref<1408xi32, #tpu.memory_space<vmem>> -> memref<128xi32, #tpu.memory_space<vmem>>
      %dma_start3A_91 = arith.constant 0 : i32
      %dma_start3A_92 = tpu.memref_slice %arg3[%dma_start3A_91] : memref<12800000xi32, #tpu.memory_space<hbm>> -> memref<12800000xi32, #tpu.memory_space<hbm>>
      tpu.enqueue_indirect_dma source(%dma_start3A_92 : memref<12800000xi32, #tpu.memory_space<hbm>>) target(%dma_start3A_88 : memref<128xi32, #tpu.memory_space<vmem>>) offsets(%dma_start3A_90 : memref<128xi32, #tpu.memory_space<vmem>>) semaphore(%arg17 : memref<!tpu.dma_semaphore, #tpu.memory_space<semaphore_mem>>)
      %dma_start3A_93 = arith.constant 1152 : i32
      %dma_start3A_94 = tpu.memref_slice %arg9[%dma_start3A_93] : memref<1408xi32, #tpu.memory_space<vmem>> -> memref<128xi32, #tpu.memory_space<vmem>>
      %dma_start3A_95 = arith.constant 1152 : i32
      %dma_start3A_96 = tpu.memref_slice %arg7[%dma_start3A_95] : memref<1408xi32, #tpu.memory_space<vmem>> -> memref<128xi32, #tpu.memory_space<vmem>>
      %dma_start3A_97 = arith.constant 0 : i32
      %dma_start3A_98 = tpu.memref_slice %arg3[%dma_start3A_97] : memref<12800000xi32, #tpu.memory_space<hbm>> -> memref<12800000xi32, #tpu.memory_space<hbm>>
      tpu.enqueue_indirect_dma source(%dma_start3A_98 : memref<12800000xi32, #tpu.memory_space<hbm>>) target(%dma_start3A_94 : memref<128xi32, #tpu.memory_space<vmem>>) offsets(%dma_start3A_96 : memref<128xi32, #tpu.memory_space<vmem>>) semaphore(%arg17 : memref<!tpu.dma_semaphore, #tpu.memory_space<semaphore_mem>>)
      %dma_start3A_99 = arith.constant 1280 : i32
      %dma_start3A_100 = tpu.memref_slice %arg9[%dma_start3A_99] : memref<1408xi32, #tpu.memory_space<vmem>> -> memref<128xi32, #tpu.memory_space<vmem>>
      %dma_start3A_101 = arith.constant 1280 : i32
      %dma_start3A_102 = tpu.memref_slice %arg7[%dma_start3A_101] : memref<1408xi32, #tpu.memory_space<vmem>> -> memref<128xi32, #tpu.memory_space<vmem>>
      %dma_start3A_103 = arith.constant 0 : i32
      %dma_start3A_104 = tpu.memref_slice %arg3[%dma_start3A_103] : memref<12800000xi32, #tpu.memory_space<hbm>> -> memref<12800000xi32, #tpu.memory_space<hbm>>
      tpu.enqueue_indirect_dma source(%dma_start3A_104 : memref<12800000xi32, #tpu.memory_space<hbm>>) target(%dma_start3A_100 : memref<128xi32, #tpu.memory_space<vmem>>) offsets(%dma_start3A_102 : memref<128xi32, #tpu.memory_space<vmem>>) semaphore(%arg17 : memref<!tpu.dma_semaphore, #tpu.memory_space<semaphore_mem>>)
    } else {
    }
    %add3A_9 = arith.constant 1408 : i32
    %add3A_10 = arith.addi %mul3A_2, %add3A_9 : i32
    %dma_start3A = tpu.memref_slice %arg4[%add3A_10] : memref<1081344xi32, #tpu.memory_space<hbm>> -> memref<1408xi32, #tpu.memory_space<hbm>>
    %dma_start3A_11 = tpu.memref_slice %arg4[%add3A_10] : memref<1081344xi32, #tpu.memory_space<hbm>> -> memref<1408xi32, #tpu.memory_space<hbm>>
    tpu.enqueue_dma source(%dma_start3A_11 : memref<1408xi32, #tpu.memory_space<hbm>>) target(%arg8 : memref<1408xi32, #tpu.memory_space<vmem>>) target_semaphore(%arg16 : memref<!tpu.dma_semaphore, #tpu.memory_space<semaphore_mem>>)
    %scan3A = arith.constant 0 : i32
    %scan3A_12 = arith.constant 12 : i32
    %scan3A_13 = arith.addi %scan3A, %scan3A_12 : i32
    %scan3A_14 = arith.constant 1 : i32
    scf.for %scan3A_39 = %scan3A to %scan3A_13 step %scan3A_14  : i32 {
      %mul3A_40 = arith.constant 1 : i32
      %mul3A_41 = arith.muli %scan3A_39, %mul3A_40 : i32
      %add3A_42 = arith.constant 0 : i32
      %add3A_43 = arith.addi %add3A_42, %mul3A_41 : i32
      %mul3A_44 = arith.constant 2 : i32
      %mul3A_45 = arith.muli %mul3A_44, %add3A_43 : i32
      %mul3A_46 = arith.constant 1408 : i32
      %mul3A_47 = arith.muli %mul3A_45, %mul3A_46 : i32
      %add3A_48 = arith.addi %mul3A_2, %mul3A_47 : i32
      %add3A_49 = arith.constant 1408 : i32
      %add3A_50 = arith.addi %add3A_48, %add3A_49 : i32
      %add3A_51 = arith.constant 1408 : i32
      %add3A_52 = arith.addi %add3A_50, %add3A_51 : i32
      %rem3A = arith.constant 1081344 : i32
      %rem3A_53 = arith.remsi %add3A_52, %rem3A : i32
      %add3A_54 = arith.constant 2816 : i32
      %add3A_55 = arith.addi %add3A_50, %add3A_54 : i32
      %rem3A_56 = arith.constant 1081344 : i32
      %rem3A_57 = arith.remsi %add3A_55, %rem3A_56 : i32
      %dma_wait3A_58 = arith.constant 0 : i32
      %dma_wait3A_59 = tpu.memref_slice %arg4[%dma_wait3A_58] : memref<1081344xi32, #tpu.memory_space<hbm>> -> memref<1408xi32, #tpu.memory_space<hbm>>
      %dma_wait3A_60 = arith.constant 0 : i32
      %dma_wait3A_61 = tpu.memref_slice %arg4[%dma_wait3A_60] : memref<1081344xi32, #tpu.memory_space<hbm>> -> memref<1408xi32, #tpu.memory_space<hbm>>
      tpu.wait_dma2 semaphore(%arg16 : memref<!tpu.dma_semaphore, #tpu.memory_space<semaphore_mem>>) src(%dma_wait3A_61 : memref<1408xi32, #tpu.memory_space<hbm>>) dst(%arg8 : memref<1408xi32, #tpu.memory_space<vmem>>)
      %lt3A_62 = arith.constant 16 : i32
      %lt3A_63 = arith.cmpi slt, %add3A, %lt3A_62 : i32
      %convert_element_type3A_64 = arith.extui %lt3A_63 : i1 to i32
      %cond3A_65 = arith.constant 0 : i32
      %cond3A_66 = arith.cmpi ne, %convert_element_type3A_64, %cond3A_65 : i32
      scf.if %cond3A_66 {
        %dma_start3A_125 = arith.constant 0 : i32
        %dma_start3A_126 = tpu.memref_slice %arg10[%dma_start3A_125] : memref<1408xi32, #tpu.memory_space<vmem>> -> memref<128xi32, #tpu.memory_space<vmem>>
        %dma_start3A_127 = arith.constant 0 : i32
        %dma_start3A_128 = tpu.memref_slice %arg8[%dma_start3A_127] : memref<1408xi32, #tpu.memory_space<vmem>> -> memref<128xi32, #tpu.memory_space<vmem>>
        %dma_start3A_129 = arith.constant 0 : i32
        %dma_start3A_130 = tpu.memref_slice %arg2[%dma_start3A_129] : memref<12800000xi32, #tpu.memory_space<hbm>> -> memref<12800000xi32, #tpu.memory_space<hbm>>
        tpu.enqueue_indirect_dma source(%dma_start3A_130 : memref<12800000xi32, #tpu.memory_space<hbm>>) target(%dma_start3A_126 : memref<128xi32, #tpu.memory_space<vmem>>) offsets(%dma_start3A_128 : memref<128xi32, #tpu.memory_space<vmem>>) semaphore(%arg18 : memref<!tpu.dma_semaphore, #tpu.memory_space<semaphore_mem>>)
        %dma_start3A_131 = arith.constant 128 : i32
        %dma_start3A_132 = tpu.memref_slice %arg10[%dma_start3A_131] : memref<1408xi32, #tpu.memory_space<vmem>> -> memref<128xi32, #tpu.memory_space<vmem>>
        %dma_start3A_133 = arith.constant 128 : i32
        %dma_start3A_134 = tpu.memref_slice %arg8[%dma_start3A_133] : memref<1408xi32, #tpu.memory_space<vmem>> -> memref<128xi32, #tpu.memory_space<vmem>>
        %dma_start3A_135 = arith.constant 0 : i32
        %dma_start3A_136 = tpu.memref_slice %arg2[%dma_start3A_135] : memref<12800000xi32, #tpu.memory_space<hbm>> -> memref<12800000xi32, #tpu.memory_space<hbm>>
        tpu.enqueue_indirect_dma source(%dma_start3A_136 : memref<12800000xi32, #tpu.memory_space<hbm>>) target(%dma_start3A_132 : memref<128xi32, #tpu.memory_space<vmem>>) offsets(%dma_start3A_134 : memref<128xi32, #tpu.memory_space<vmem>>) semaphore(%arg18 : memref<!tpu.dma_semaphore, #tpu.memory_space<semaphore_mem>>)
        %dma_start3A_137 = arith.constant 256 : i32
        %dma_start3A_138 = tpu.memref_slice %arg10[%dma_start3A_137] : memref<1408xi32, #tpu.memory_space<vmem>> -> memref<128xi32, #tpu.memory_space<vmem>>
        %dma_start3A_139 = arith.constant 256 : i32
        %dma_start3A_140 = tpu.memref_slice %arg8[%dma_start3A_139] : memref<1408xi32, #tpu.memory_space<vmem>> -> memref<128xi32, #tpu.memory_space<vmem>>
        %dma_start3A_141 = arith.constant 0 : i32
        %dma_start3A_142 = tpu.memref_slice %arg2[%dma_start3A_141] : memref<12800000xi32, #tpu.memory_space<hbm>> -> memref<12800000xi32, #tpu.memory_space<hbm>>
        tpu.enqueue_indirect_dma source(%dma_start3A_142 : memref<12800000xi32, #tpu.memory_space<hbm>>) target(%dma_start3A_138 : memref<128xi32, #tpu.memory_space<vmem>>) offsets(%dma_start3A_140 : memref<128xi32, #tpu.memory_space<vmem>>) semaphore(%arg18 : memref<!tpu.dma_semaphore, #tpu.memory_space<semaphore_mem>>)
        %dma_start3A_143 = arith.constant 384 : i32
        %dma_start3A_144 = tpu.memref_slice %arg10[%dma_start3A_143] : memref<1408xi32, #tpu.memory_space<vmem>> -> memref<128xi32, #tpu.memory_space<vmem>>
        %dma_start3A_145 = arith.constant 384 : i32
        %dma_start3A_146 = tpu.memref_slice %arg8[%dma_start3A_145] : memref<1408xi32, #tpu.memory_space<vmem>> -> memref<128xi32, #tpu.memory_space<vmem>>
        %dma_start3A_147 = arith.constant 0 : i32
        %dma_start3A_148 = tpu.memref_slice %arg2[%dma_start3A_147] : memref<12800000xi32, #tpu.memory_space<hbm>> -> memref<12800000xi32, #tpu.memory_space<hbm>>
        tpu.enqueue_indirect_dma source(%dma_start3A_148 : memref<12800000xi32, #tpu.memory_space<hbm>>) target(%dma_start3A_144 : memref<128xi32, #tpu.memory_space<vmem>>) offsets(%dma_start3A_146 : memref<128xi32, #tpu.memory_space<vmem>>) semaphore(%arg18 : memref<!tpu.dma_semaphore, #tpu.memory_space<semaphore_mem>>)
        %dma_start3A_149 = arith.constant 512 : i32
        %dma_start3A_150 = tpu.memref_slice %arg10[%dma_start3A_149] : memref<1408xi32, #tpu.memory_space<vmem>> -> memref<128xi32, #tpu.memory_space<vmem>>
        %dma_start3A_151 = arith.constant 512 : i32
        %dma_start3A_152 = tpu.memref_slice %arg8[%dma_start3A_151] : memref<1408xi32, #tpu.memory_space<vmem>> -> memref<128xi32, #tpu.memory_space<vmem>>
        %dma_start3A_153 = arith.constant 0 : i32
        %dma_start3A_154 = tpu.memref_slice %arg2[%dma_start3A_153] : memref<12800000xi32, #tpu.memory_space<hbm>> -> memref<12800000xi32, #tpu.memory_space<hbm>>
        tpu.enqueue_indirect_dma source(%dma_start3A_154 : memref<12800000xi32, #tpu.memory_space<hbm>>) target(%dma_start3A_150 : memref<128xi32, #tpu.memory_space<vmem>>) offsets(%dma_start3A_152 : memref<128xi32, #tpu.memory_space<vmem>>) semaphore(%arg18 : memref<!tpu.dma_semaphore, #tpu.memory_space<semaphore_mem>>)
        %dma_start3A_155 = arith.constant 640 : i32
        %dma_start3A_156 = tpu.memref_slice %arg10[%dma_start3A_155] : memref<1408xi32, #tpu.memory_space<vmem>> -> memref<128xi32, #tpu.memory_space<vmem>>
        %dma_start3A_157 = arith.constant 640 : i32
        %dma_start3A_158 = tpu.memref_slice %arg8[%dma_start3A_157] : memref<1408xi32, #tpu.memory_space<vmem>> -> memref<128xi32, #tpu.memory_space<vmem>>
        %dma_start3A_159 = arith.constant 0 : i32
        %dma_start3A_160 = tpu.memref_slice %arg2[%dma_start3A_159] : memref<12800000xi32, #tpu.memory_space<hbm>> -> memref<12800000xi32, #tpu.memory_space<hbm>>
        tpu.enqueue_indirect_dma source(%dma_start3A_160 : memref<12800000xi32, #tpu.memory_space<hbm>>) target(%dma_start3A_156 : memref<128xi32, #tpu.memory_space<vmem>>) offsets(%dma_start3A_158 : memref<128xi32, #tpu.memory_space<vmem>>) semaphore(%arg18 : memref<!tpu.dma_semaphore, #tpu.memory_space<semaphore_mem>>)
        %dma_start3A_161 = arith.constant 768 : i32
        %dma_start3A_162 = tpu.memref_slice %arg10[%dma_start3A_161] : memref<1408xi32, #tpu.memory_space<vmem>> -> memref<128xi32, #tpu.memory_space<vmem>>
        %dma_start3A_163 = arith.constant 768 : i32
        %dma_start3A_164 = tpu.memref_slice %arg8[%dma_start3A_163] : memref<1408xi32, #tpu.memory_space<vmem>> -> memref<128xi32, #tpu.memory_space<vmem>>
        %dma_start3A_165 = arith.constant 0 : i32
        %dma_start3A_166 = tpu.memref_slice %arg2[%dma_start3A_165] : memref<12800000xi32, #tpu.memory_space<hbm>> -> memref<12800000xi32, #tpu.memory_space<hbm>>
        tpu.enqueue_indirect_dma source(%dma_start3A_166 : memref<12800000xi32, #tpu.memory_space<hbm>>) target(%dma_start3A_162 : memref<128xi32, #tpu.memory_space<vmem>>) offsets(%dma_start3A_164 : memref<128xi32, #tpu.memory_space<vmem>>) semaphore(%arg18 : memref<!tpu.dma_semaphore, #tpu.memory_space<semaphore_mem>>)
        %dma_start3A_167 = arith.constant 896 : i32
        %dma_start3A_168 = tpu.memref_slice %arg10[%dma_start3A_167] : memref<1408xi32, #tpu.memory_space<vmem>> -> memref<128xi32, #tpu.memory_space<vmem>>
        %dma_start3A_169 = arith.constant 896 : i32
        %dma_start3A_170 = tpu.memref_slice %arg8[%dma_start3A_169] : memref<1408xi32, #tpu.memory_space<vmem>> -> memref<128xi32, #tpu.memory_space<vmem>>
        %dma_start3A_171 = arith.constant 0 : i32
        %dma_start3A_172 = tpu.memref_slice %arg2[%dma_start3A_171] : memref<12800000xi32, #tpu.memory_space<hbm>> -> memref<12800000xi32, #tpu.memory_space<hbm>>
        tpu.enqueue_indirect_dma source(%dma_start3A_172 : memref<12800000xi32, #tpu.memory_space<hbm>>) target(%dma_start3A_168 : memref<128xi32, #tpu.memory_space<vmem>>) offsets(%dma_start3A_170 : memref<128xi32, #tpu.memory_space<vmem>>) semaphore(%arg18 : memref<!tpu.dma_semaphore, #tpu.memory_space<semaphore_mem>>)
        %dma_start3A_173 = arith.constant 1024 : i32
        %dma_start3A_174 = tpu.memref_slice %arg10[%dma_start3A_173] : memref<1408xi32, #tpu.memory_space<vmem>> -> memref<128xi32, #tpu.memory_space<vmem>>
        %dma_start3A_175 = arith.constant 1024 : i32
        %dma_start3A_176 = tpu.memref_slice %arg8[%dma_start3A_175] : memref<1408xi32, #tpu.memory_space<vmem>> -> memref<128xi32, #tpu.memory_space<vmem>>
        %dma_start3A_177 = arith.constant 0 : i32
        %dma_start3A_178 = tpu.memref_slice %arg2[%dma_start3A_177] : memref<12800000xi32, #tpu.memory_space<hbm>> -> memref<12800000xi32, #tpu.memory_space<hbm>>
        tpu.enqueue_indirect_dma source(%dma_start3A_178 : memref<12800000xi32, #tpu.memory_space<hbm>>) target(%dma_start3A_174 : memref<128xi32, #tpu.memory_space<vmem>>) offsets(%dma_start3A_176 : memref<128xi32, #tpu.memory_space<vmem>>) semaphore(%arg18 : memref<!tpu.dma_semaphore, #tpu.memory_space<semaphore_mem>>)
        %dma_start3A_179 = arith.constant 1152 : i32
        %dma_start3A_180 = tpu.memref_slice %arg10[%dma_start3A_179] : memref<1408xi32, #tpu.memory_space<vmem>> -> memref<128xi32, #tpu.memory_space<vmem>>
        %dma_start3A_181 = arith.constant 1152 : i32
        %dma_start3A_182 = tpu.memref_slice %arg8[%dma_start3A_181] : memref<1408xi32, #tpu.memory_space<vmem>> -> memref<128xi32, #tpu.memory_space<vmem>>
        %dma_start3A_183 = arith.constant 0 : i32
        %dma_start3A_184 = tpu.memref_slice %arg2[%dma_start3A_183] : memref<12800000xi32, #tpu.memory_space<hbm>> -> memref<12800000xi32, #tpu.memory_space<hbm>>
        tpu.enqueue_indirect_dma source(%dma_start3A_184 : memref<12800000xi32, #tpu.memory_space<hbm>>) target(%dma_start3A_180 : memref<128xi32, #tpu.memory_space<vmem>>) offsets(%dma_start3A_182 : memref<128xi32, #tpu.memory_space<vmem>>) semaphore(%arg18 : memref<!tpu.dma_semaphore, #tpu.memory_space<semaphore_mem>>)
        %dma_start3A_185 = arith.constant 1280 : i32
        %dma_start3A_186 = tpu.memref_slice %arg10[%dma_start3A_185] : memref<1408xi32, #tpu.memory_space<vmem>> -> memref<128xi32, #tpu.memory_space<vmem>>
        %dma_start3A_187 = arith.constant 1280 : i32
        %dma_start3A_188 = tpu.memref_slice %arg8[%dma_start3A_187] : memref<1408xi32, #tpu.memory_space<vmem>> -> memref<128xi32, #tpu.memory_space<vmem>>
        %dma_start3A_189 = arith.constant 0 : i32
        %dma_start3A_190 = tpu.memref_slice %arg2[%dma_start3A_189] : memref<12800000xi32, #tpu.memory_space<hbm>> -> memref<12800000xi32, #tpu.memory_space<hbm>>
        tpu.enqueue_indirect_dma source(%dma_start3A_190 : memref<12800000xi32, #tpu.memory_space<hbm>>) target(%dma_start3A_186 : memref<128xi32, #tpu.memory_space<vmem>>) offsets(%dma_start3A_188 : memref<128xi32, #tpu.memory_space<vmem>>) semaphore(%arg18 : memref<!tpu.dma_semaphore, #tpu.memory_space<semaphore_mem>>)
      } else {
      }
      %ge3A_67 = arith.constant 16 : i32
      %ge3A_68 = arith.cmpi sge, %add3A, %ge3A_67 : i32
      %convert_element_type3A_69 = arith.extui %ge3A_68 : i1 to i32
      %cond3A_70 = arith.constant 0 : i32
      %cond3A_71 = arith.cmpi ne, %convert_element_type3A_69, %cond3A_70 : i32
      scf.if %cond3A_71 {
        %dma_start3A_125 = arith.constant 0 : i32
        %dma_start3A_126 = tpu.memref_slice %arg10[%dma_start3A_125] : memref<1408xi32, #tpu.memory_space<vmem>> -> memref<128xi32, #tpu.memory_space<vmem>>
        %dma_start3A_127 = arith.constant 0 : i32
        %dma_start3A_128 = tpu.memref_slice %arg8[%dma_start3A_127] : memref<1408xi32, #tpu.memory_space<vmem>> -> memref<128xi32, #tpu.memory_space<vmem>>
        %dma_start3A_129 = arith.constant 0 : i32
        %dma_start3A_130 = tpu.memref_slice %arg3[%dma_start3A_129] : memref<12800000xi32, #tpu.memory_space<hbm>> -> memref<12800000xi32, #tpu.memory_space<hbm>>
        tpu.enqueue_indirect_dma source(%dma_start3A_130 : memref<12800000xi32, #tpu.memory_space<hbm>>) target(%dma_start3A_126 : memref<128xi32, #tpu.memory_space<vmem>>) offsets(%dma_start3A_128 : memref<128xi32, #tpu.memory_space<vmem>>) semaphore(%arg18 : memref<!tpu.dma_semaphore, #tpu.memory_space<semaphore_mem>>)
        %dma_start3A_131 = arith.constant 128 : i32
        %dma_start3A_132 = tpu.memref_slice %arg10[%dma_start3A_131] : memref<1408xi32, #tpu.memory_space<vmem>> -> memref<128xi32, #tpu.memory_space<vmem>>
        %dma_start3A_133 = arith.constant 128 : i32
        %dma_start3A_134 = tpu.memref_slice %arg8[%dma_start3A_133] : memref<1408xi32, #tpu.memory_space<vmem>> -> memref<128xi32, #tpu.memory_space<vmem>>
        %dma_start3A_135 = arith.constant 0 : i32
        %dma_start3A_136 = tpu.memref_slice %arg3[%dma_start3A_135] : memref<12800000xi32, #tpu.memory_space<hbm>> -> memref<12800000xi32, #tpu.memory_space<hbm>>
        tpu.enqueue_indirect_dma source(%dma_start3A_136 : memref<12800000xi32, #tpu.memory_space<hbm>>) target(%dma_start3A_132 : memref<128xi32, #tpu.memory_space<vmem>>) offsets(%dma_start3A_134 : memref<128xi32, #tpu.memory_space<vmem>>) semaphore(%arg18 : memref<!tpu.dma_semaphore, #tpu.memory_space<semaphore_mem>>)
        %dma_start3A_137 = arith.constant 256 : i32
        %dma_start3A_138 = tpu.memref_slice %arg10[%dma_start3A_137] : memref<1408xi32, #tpu.memory_space<vmem>> -> memref<128xi32, #tpu.memory_space<vmem>>
        %dma_start3A_139 = arith.constant 256 : i32
        %dma_start3A_140 = tpu.memref_slice %arg8[%dma_start3A_139] : memref<1408xi32, #tpu.memory_space<vmem>> -> memref<128xi32, #tpu.memory_space<vmem>>
        %dma_start3A_141 = arith.constant 0 : i32
        %dma_start3A_142 = tpu.memref_slice %arg3[%dma_start3A_141] : memref<12800000xi32, #tpu.memory_space<hbm>> -> memref<12800000xi32, #tpu.memory_space<hbm>>
        tpu.enqueue_indirect_dma source(%dma_start3A_142 : memref<12800000xi32, #tpu.memory_space<hbm>>) target(%dma_start3A_138 : memref<128xi32, #tpu.memory_space<vmem>>) offsets(%dma_start3A_140 : memref<128xi32, #tpu.memory_space<vmem>>) semaphore(%arg18 : memref<!tpu.dma_semaphore, #tpu.memory_space<semaphore_mem>>)
        %dma_start3A_143 = arith.constant 384 : i32
        %dma_start3A_144 = tpu.memref_slice %arg10[%dma_start3A_143] : memref<1408xi32, #tpu.memory_space<vmem>> -> memref<128xi32, #tpu.memory_space<vmem>>
        %dma_start3A_145 = arith.constant 384 : i32
        %dma_start3A_146 = tpu.memref_slice %arg8[%dma_start3A_145] : memref<1408xi32, #tpu.memory_space<vmem>> -> memref<128xi32, #tpu.memory_space<vmem>>
        %dma_start3A_147 = arith.constant 0 : i32
        %dma_start3A_148 = tpu.memref_slice %arg3[%dma_start3A_147] : memref<12800000xi32, #tpu.memory_space<hbm>> -> memref<12800000xi32, #tpu.memory_space<hbm>>
        tpu.enqueue_indirect_dma source(%dma_start3A_148 : memref<12800000xi32, #tpu.memory_space<hbm>>) target(%dma_start3A_144 : memref<128xi32, #tpu.memory_space<vmem>>) offsets(%dma_start3A_146 : memref<128xi32, #tpu.memory_space<vmem>>) semaphore(%arg18 : memref<!tpu.dma_semaphore, #tpu.memory_space<semaphore_mem>>)
        %dma_start3A_149 = arith.constant 512 : i32
        %dma_start3A_150 = tpu.memref_slice %arg10[%dma_start3A_149] : memref<1408xi32, #tpu.memory_space<vmem>> -> memref<128xi32, #tpu.memory_space<vmem>>
        %dma_start3A_151 = arith.constant 512 : i32
        %dma_start3A_152 = tpu.memref_slice %arg8[%dma_start3A_151] : memref<1408xi32, #tpu.memory_space<vmem>> -> memref<128xi32, #tpu.memory_space<vmem>>
        %dma_start3A_153 = arith.constant 0 : i32
        %dma_start3A_154 = tpu.memref_slice %arg3[%dma_start3A_153] : memref<12800000xi32, #tpu.memory_space<hbm>> -> memref<12800000xi32, #tpu.memory_space<hbm>>
        tpu.enqueue_indirect_dma source(%dma_start3A_154 : memref<12800000xi32, #tpu.memory_space<hbm>>) target(%dma_start3A_150 : memref<128xi32, #tpu.memory_space<vmem>>) offsets(%dma_start3A_152 : memref<128xi32, #tpu.memory_space<vmem>>) semaphore(%arg18 : memref<!tpu.dma_semaphore, #tpu.memory_space<semaphore_mem>>)
        %dma_start3A_155 = arith.constant 640 : i32
        %dma_start3A_156 = tpu.memref_slice %arg10[%dma_start3A_155] : memref<1408xi32, #tpu.memory_space<vmem>> -> memref<128xi32, #tpu.memory_space<vmem>>
        %dma_start3A_157 = arith.constant 640 : i32
        %dma_start3A_158 = tpu.memref_slice %arg8[%dma_start3A_157] : memref<1408xi32, #tpu.memory_space<vmem>> -> memref<128xi32, #tpu.memory_space<vmem>>
        %dma_start3A_159 = arith.constant 0 : i32
        %dma_start3A_160 = tpu.memref_slice %arg3[%dma_start3A_159] : memref<12800000xi32, #tpu.memory_space<hbm>> -> memref<12800000xi32, #tpu.memory_space<hbm>>
        tpu.enqueue_indirect_dma source(%dma_start3A_160 : memref<12800000xi32, #tpu.memory_space<hbm>>) target(%dma_start3A_156 : memref<128xi32, #tpu.memory_space<vmem>>) offsets(%dma_start3A_158 : memref<128xi32, #tpu.memory_space<vmem>>) semaphore(%arg18 : memref<!tpu.dma_semaphore, #tpu.memory_space<semaphore_mem>>)
        %dma_start3A_161 = arith.constant 768 : i32
        %dma_start3A_162 = tpu.memref_slice %arg10[%dma_start3A_161] : memref<1408xi32, #tpu.memory_space<vmem>> -> memref<128xi32, #tpu.memory_space<vmem>>
        %dma_start3A_163 = arith.constant 768 : i32
        %dma_start3A_164 = tpu.memref_slice %arg8[%dma_start3A_163] : memref<1408xi32, #tpu.memory_space<vmem>> -> memref<128xi32, #tpu.memory_space<vmem>>
        %dma_start3A_165 = arith.constant 0 : i32
        %dma_start3A_166 = tpu.memref_slice %arg3[%dma_start3A_165] : memref<12800000xi32, #tpu.memory_space<hbm>> -> memref<12800000xi32, #tpu.memory_space<hbm>>
        tpu.enqueue_indirect_dma source(%dma_start3A_166 : memref<12800000xi32, #tpu.memory_space<hbm>>) target(%dma_start3A_162 : memref<128xi32, #tpu.memory_space<vmem>>) offsets(%dma_start3A_164 : memref<128xi32, #tpu.memory_space<vmem>>) semaphore(%arg18 : memref<!tpu.dma_semaphore, #tpu.memory_space<semaphore_mem>>)
        %dma_start3A_167 = arith.constant 896 : i32
        %dma_start3A_168 = tpu.memref_slice %arg10[%dma_start3A_167] : memref<1408xi32, #tpu.memory_space<vmem>> -> memref<128xi32, #tpu.memory_space<vmem>>
        %dma_start3A_169 = arith.constant 896 : i32
        %dma_start3A_170 = tpu.memref_slice %arg8[%dma_start3A_169] : memref<1408xi32, #tpu.memory_space<vmem>> -> memref<128xi32, #tpu.memory_space<vmem>>
        %dma_start3A_171 = arith.constant 0 : i32
        %dma_start3A_172 = tpu.memref_slice %arg3[%dma_start3A_171] : memref<12800000xi32, #tpu.memory_space<hbm>> -> memref<12800000xi32, #tpu.memory_space<hbm>>
        tpu.enqueue_indirect_dma source(%dma_start3A_172 : memref<12800000xi32, #tpu.memory_space<hbm>>) target(%dma_start3A_168 : memref<128xi32, #tpu.memory_space<vmem>>) offsets(%dma_start3A_170 : memref<128xi32, #tpu.memory_space<vmem>>) semaphore(%arg18 : memref<!tpu.dma_semaphore, #tpu.memory_space<semaphore_mem>>)
        %dma_start3A_173 = arith.constant 1024 : i32
        %dma_start3A_174 = tpu.memref_slice %arg10[%dma_start3A_173] : memref<1408xi32, #tpu.memory_space<vmem>> -> memref<128xi32, #tpu.memory_space<vmem>>
        %dma_start3A_175 = arith.constant 1024 : i32
        %dma_start3A_176 = tpu.memref_slice %arg8[%dma_start3A_175] : memref<1408xi32, #tpu.memory_space<vmem>> -> memref<128xi32, #tpu.memory_space<vmem>>
        %dma_start3A_177 = arith.constant 0 : i32
        %dma_start3A_178 = tpu.memref_slice %arg3[%dma_start3A_177] : memref<12800000xi32, #tpu.memory_space<hbm>> -> memref<12800000xi32, #tpu.memory_space<hbm>>
        tpu.enqueue_indirect_dma source(%dma_start3A_178 : memref<12800000xi32, #tpu.memory_space<hbm>>) target(%dma_start3A_174 : memref<128xi32, #tpu.memory_space<vmem>>) offsets(%dma_start3A_176 : memref<128xi32, #tpu.memory_space<vmem>>) semaphore(%arg18 : memref<!tpu.dma_semaphore, #tpu.memory_space<semaphore_mem>>)
        %dma_start3A_179 = arith.constant 1152 : i32
        %dma_start3A_180 = tpu.memref_slice %arg10[%dma_start3A_179] : memref<1408xi32, #tpu.memory_space<vmem>> -> memref<128xi32, #tpu.memory_space<vmem>>
        %dma_start3A_181 = arith.constant 1152 : i32
        %dma_start3A_182 = tpu.memref_slice %arg8[%dma_start3A_181] : memref<1408xi32, #tpu.memory_space<vmem>> -> memref<128xi32, #tpu.memory_space<vmem>>
        %dma_start3A_183 = arith.constant 0 : i32
        %dma_start3A_184 = tpu.memref_slice %arg3[%dma_start3A_183] : memref<12800000xi32, #tpu.memory_space<hbm>> -> memref<12800000xi32, #tpu.memory_space<hbm>>
        tpu.enqueue_indirect_dma source(%dma_start3A_184 : memref<12800000xi32, #tpu.memory_space<hbm>>) target(%dma_start3A_180 : memref<128xi32, #tpu.memory_space<vmem>>) offsets(%dma_start3A_182 : memref<128xi32, #tpu.memory_space<vmem>>) semaphore(%arg18 : memref<!tpu.dma_semaphore, #tpu.memory_space<semaphore_mem>>)
        %dma_start3A_185 = arith.constant 1280 : i32
        %dma_start3A_186 = tpu.memref_slice %arg10[%dma_start3A_185] : memref<1408xi32, #tpu.memory_space<vmem>> -> memref<128xi32, #tpu.memory_space<vmem>>
        %dma_start3A_187 = arith.constant 1280 : i32
        %dma_start3A_188 = tpu.memref_slice %arg8[%dma_start3A_187] : memref<1408xi32, #tpu.memory_space<vmem>> -> memref<128xi32, #tpu.memory_space<vmem>>
        %dma_start3A_189 = arith.constant 0 : i32
        %dma_start3A_190 = tpu.memref_slice %arg3[%dma_start3A_189] : memref<12800000xi32, #tpu.memory_space<hbm>> -> memref<12800000xi32, #tpu.memory_space<hbm>>
        tpu.enqueue_indirect_dma source(%dma_start3A_190 : memref<12800000xi32, #tpu.memory_space<hbm>>) target(%dma_start3A_186 : memref<128xi32, #tpu.memory_space<vmem>>) offsets(%dma_start3A_188 : memref<128xi32, #tpu.memory_space<vmem>>) semaphore(%arg18 : memref<!tpu.dma_semaphore, #tpu.memory_space<semaphore_mem>>)
      } else {
      }
      %dma_wait3A_72 = arith.constant 0 : i32
      %dma_wait3A_73 = tpu.memref_slice %arg4[%dma_wait3A_72] : memref<1081344xi32, #tpu.memory_space<hbm>> -> memref<1408xi32, #tpu.memory_space<hbm>>
      %dma_wait3A_74 = arith.constant 0 : i32
      %dma_wait3A_75 = tpu.memref_slice %arg4[%dma_wait3A_74] : memref<1081344xi32, #tpu.memory_space<hbm>> -> memref<1408xi32, #tpu.memory_space<hbm>>
      tpu.wait_dma2 semaphore(%arg17 : memref<!tpu.dma_semaphore, #tpu.memory_space<semaphore_mem>>) src(%dma_wait3A_75 : memref<1408xi32, #tpu.memory_space<hbm>>) dst(%arg9 : memref<1408xi32, #tpu.memory_space<vmem>>)
      %dma_start3A_76 = tpu.memref_slice %arg4[%rem3A_53] : memref<1081344xi32, #tpu.memory_space<hbm>> -> memref<1408xi32, #tpu.memory_space<hbm>>
      %dma_start3A_77 = tpu.memref_slice %arg4[%rem3A_53] : memref<1081344xi32, #tpu.memory_space<hbm>> -> memref<1408xi32, #tpu.memory_space<hbm>>
      tpu.enqueue_dma source(%dma_start3A_77 : memref<1408xi32, #tpu.memory_space<hbm>>) target(%arg7 : memref<1408xi32, #tpu.memory_space<vmem>>) target_semaphore(%arg15 : memref<!tpu.dma_semaphore, #tpu.memory_space<semaphore_mem>>)
      %gt3A = arith.constant 0 : i32
      %gt3A_78 = arith.cmpi sgt, %add3A_43, %gt3A : i32
      %convert_element_type3A_79 = arith.extui %gt3A_78 : i1 to i32
      %cond3A_80 = arith.constant 0 : i32
      %cond3A_81 = arith.cmpi ne, %convert_element_type3A_79, %cond3A_80 : i32
      scf.if %cond3A_81 {
        %dma_wait3A_125 = arith.constant 0 : i32
        %dma_wait3A_126 = tpu.memref_slice %arg5[%dma_wait3A_125] : memref<1081344xf32, #tpu.memory_space<hbm>> -> memref<1408xf32, #tpu.memory_space<hbm>>
        %dma_wait3A_127 = arith.constant 0 : i32
        %dma_wait3A_128 = tpu.memref_slice %arg5[%dma_wait3A_127] : memref<1081344xf32, #tpu.memory_space<hbm>> -> memref<1408xf32, #tpu.memory_space<hbm>>
        tpu.wait_dma2 semaphore(%arg19 : memref<!tpu.dma_semaphore, #tpu.memory_space<semaphore_mem>>) src(%dma_wait3A_128 : memref<1408xf32, #tpu.memory_space<hbm>>) dst(%arg11 : memref<1408xf32, #tpu.memory_space<vmem>>)
        %dma_wait3A_129 = arith.constant 0 : i32
        %dma_wait3A_130 = tpu.memref_slice %arg6[%dma_wait3A_129] : memref<1081344xf32, #tpu.memory_space<hbm>> -> memref<1408xf32, #tpu.memory_space<hbm>>
        %dma_wait3A_131 = arith.constant 0 : i32
        %dma_wait3A_132 = tpu.memref_slice %arg6[%dma_wait3A_131] : memref<1081344xf32, #tpu.memory_space<hbm>> -> memref<1408xf32, #tpu.memory_space<hbm>>
        tpu.wait_dma2 semaphore(%arg19 : memref<!tpu.dma_semaphore, #tpu.memory_space<semaphore_mem>>) src(%dma_wait3A_132 : memref<1408xf32, #tpu.memory_space<hbm>>) dst(%arg12 : memref<1408xf32, #tpu.memory_space<vmem>>)
      } else {
      }
      %scan3A_82 = arith.constant 0 : i32
      %scan3A_83 = arith.constant 88 : i32
      %scan3A_84 = arith.addi %scan3A_82, %scan3A_83 : i32
      %scan3A_85 = arith.constant 1 : i32
      scf.for %scan3A_125 = %scan3A_82 to %scan3A_84 step %scan3A_85  : i32 {
        %mul3A_126 = arith.constant 1 : i32
        %mul3A_127 = arith.muli %scan3A_125, %mul3A_126 : i32
        %add3A_128 = arith.constant 0 : i32
        %add3A_129 = arith.addi %add3A_128, %mul3A_127 : i32
        %mul3A_130 = arith.constant 16 : i32
        %mul3A_131 = arith.muli %add3A_129, %mul3A_130 : i32
        %get3A = arith.index_cast %mul3A_131 : i32 to index
        %get3A_132 = tpu.vector_load %arg9[%get3A] {strides = array<i32>} : memref<1408xi32, #tpu.memory_space<vmem>>, vector<16xi32>,
        %get3A_133 = vector.shape_cast %get3A_132 : vector<16xi32> to vector<16xi32>
        %shift_left3A = arith.constant 16 : i32
        %shift_left3A_134 = vector.broadcast %shift_left3A : i32 to vector<16xi32>
        %shift_left3A_135 = arith.shli %get3A_133, %shift_left3A_134 : vector<16xi32>
        %bitcast_convert_type3A = tpu.bitcast %shift_left3A_135 : vector<16xi32> -> vector<16xf32>
        %mul3A_136 = arith.constant 16 : i32
        %mul3A_137 = arith.muli %add3A_129, %mul3A_136 : i32
        %swap3A = arith.index_cast %mul3A_137 : i32 to index
        %swap3A_138 = tpu.vector_load %arg11[%swap3A] {strides = array<i32>} : memref<1408xf32, #tpu.memory_space<vmem>>, vector<16xf32>,
        %swap3A_139 = vector.shape_cast %swap3A_138 : vector<16xf32> to vector<16xf32>
        %swap3A_140 = vector.shape_cast %bitcast_convert_type3A : vector<16xf32> to vector<16xf32>
        tpu.vector_store %arg11[%swap3A], %swap3A_140 {strides = array<i32>} : memref<1408xf32, #tpu.memory_space<vmem>>, vector<16xf32>,
        %and3A = arith.constant -65536 : i32
        %and3A_141 = vector.broadcast %and3A : i32 to vector<16xi32>
        %and3A_142 = arith.andi %get3A_133, %and3A_141 : vector<16xi32>
        %bitcast_convert_type3A_143 = tpu.bitcast %and3A_142 : vector<16xi32> -> vector<16xf32>
        %mul3A_144 = arith.constant 16 : i32
        %mul3A_145 = arith.muli %add3A_129, %mul3A_144 : i32
        %swap3A_146 = arith.index_cast %mul3A_145 : i32 to index
        %swap3A_147 = tpu.vector_load %arg12[%swap3A_146] {strides = array<i32>} : memref<1408xf32, #tpu.memory_space<vmem>>, vector<16xf32>,
        %swap3A_148 = vector.shape_cast %swap3A_147 : vector<16xf32> to vector<16xf32>
        %swap3A_149 = vector.shape_cast %bitcast_convert_type3A_143 : vector<16xf32> to vector<16xf32>
        tpu.vector_store %arg12[%swap3A_146], %swap3A_149 {strides = array<i32>} : memref<1408xf32, #tpu.memory_space<vmem>>, vector<16xf32>,
      }
      %scan3A_86 = arith.constant 88 : i32
      %dma_start3A_87 = tpu.memref_slice %arg5[%add3A_48] : memref<1081344xf32, #tpu.memory_space<hbm>> -> memref<1408xf32, #tpu.memory_space<hbm>>
      %dma_start3A_88 = tpu.memref_slice %arg5[%add3A_48] : memref<1081344xf32, #tpu.memory_space<hbm>> -> memref<1408xf32, #tpu.memory_space<hbm>>
      tpu.enqueue_dma source(%arg11 : memref<1408xf32, #tpu.memory_space<vmem>>) target(%dma_start3A_88 : memref<1408xf32, #tpu.memory_space<hbm>>) target_semaphore(%arg19 : memref<!tpu.dma_semaphore, #tpu.memory_space<semaphore_mem>>)
      %dma_start3A_89 = tpu.memref_slice %arg6[%add3A_48] : memref<1081344xf32, #tpu.memory_space<hbm>> -> memref<1408xf32, #tpu.memory_space<hbm>>
      %dma_start3A_90 = tpu.memref_slice %arg6[%add3A_48] : memref<1081344xf32, #tpu.memory_space<hbm>> -> memref<1408xf32, #tpu.memory_space<hbm>>
      tpu.enqueue_dma source(%arg12 : memref<1408xf32, #tpu.memory_space<vmem>>) target(%dma_start3A_90 : memref<1408xf32, #tpu.memory_space<hbm>>) target_semaphore(%arg19 : memref<!tpu.dma_semaphore, #tpu.memory_space<semaphore_mem>>)
      %dma_wait3A_91 = arith.constant 0 : i32
      %dma_wait3A_92 = tpu.memref_slice %arg4[%dma_wait3A_91] : memref<1081344xi32, #tpu.memory_space<hbm>> -> memref<1408xi32, #tpu.memory_space<hbm>>
      %dma_wait3A_93 = arith.constant 0 : i32
      %dma_wait3A_94 = tpu.memref_slice %arg4[%dma_wait3A_93] : memref<1081344xi32, #tpu.memory_space<hbm>> -> memref<1408xi32, #tpu.memory_space<hbm>>
      tpu.wait_dma2 semaphore(%arg15 : memref<!tpu.dma_semaphore, #tpu.memory_space<semaphore_mem>>) src(%dma_wait3A_94 : memref<1408xi32, #tpu.memory_space<hbm>>) dst(%arg7 : memref<1408xi32, #tpu.memory_space<vmem>>)
      %lt3A_95 = arith.constant 16 : i32
      %lt3A_96 = arith.cmpi slt, %add3A, %lt3A_95 : i32
      %convert_element_type3A_97 = arith.extui %lt3A_96 : i1 to i32
      %cond3A_98 = arith.constant 0 : i32
      %cond3A_99 = arith.cmpi ne, %convert_element_type3A_97, %cond3A_98 : i32
      scf.if %cond3A_99 {
        %dma_start3A_125 = arith.constant 0 : i32
        %dma_start3A_126 = tpu.memref_slice %arg9[%dma_start3A_125] : memref<1408xi32, #tpu.memory_space<vmem>> -> memref<128xi32, #tpu.memory_space<vmem>>
        %dma_start3A_127 = arith.constant 0 : i32
        %dma_start3A_128 = tpu.memref_slice %arg7[%dma_start3A_127] : memref<1408xi32, #tpu.memory_space<vmem>> -> memref<128xi32, #tpu.memory_space<vmem>>
        %dma_start3A_129 = arith.constant 0 : i32
        %dma_start3A_130 = tpu.memref_slice %arg2[%dma_start3A_129] : memref<12800000xi32, #tpu.memory_space<hbm>> -> memref<12800000xi32, #tpu.memory_space<hbm>>
        tpu.enqueue_indirect_dma source(%dma_start3A_130 : memref<12800000xi32, #tpu.memory_space<hbm>>) target(%dma_start3A_126 : memref<128xi32, #tpu.memory_space<vmem>>) offsets(%dma_start3A_128 : memref<128xi32, #tpu.memory_space<vmem>>) semaphore(%arg17 : memref<!tpu.dma_semaphore, #tpu.memory_space<semaphore_mem>>)
        %dma_start3A_131 = arith.constant 128 : i32
        %dma_start3A_132 = tpu.memref_slice %arg9[%dma_start3A_131] : memref<1408xi32, #tpu.memory_space<vmem>> -> memref<128xi32, #tpu.memory_space<vmem>>
        %dma_start3A_133 = arith.constant 128 : i32
        %dma_start3A_134 = tpu.memref_slice %arg7[%dma_start3A_133] : memref<1408xi32, #tpu.memory_space<vmem>> -> memref<128xi32, #tpu.memory_space<vmem>>
        %dma_start3A_135 = arith.constant 0 : i32
        %dma_start3A_136 = tpu.memref_slice %arg2[%dma_start3A_135] : memref<12800000xi32, #tpu.memory_space<hbm>> -> memref<12800000xi32, #tpu.memory_space<hbm>>
        tpu.enqueue_indirect_dma source(%dma_start3A_136 : memref<12800000xi32, #tpu.memory_space<hbm>>) target(%dma_start3A_132 : memref<128xi32, #tpu.memory_space<vmem>>) offsets(%dma_start3A_134 : memref<128xi32, #tpu.memory_space<vmem>>) semaphore(%arg17 : memref<!tpu.dma_semaphore, #tpu.memory_space<semaphore_mem>>)
        %dma_start3A_137 = arith.constant 256 : i32
        %dma_start3A_138 = tpu.memref_slice %arg9[%dma_start3A_137] : memref<1408xi32, #tpu.memory_space<vmem>> -> memref<128xi32, #tpu.memory_space<vmem>>
        %dma_start3A_139 = arith.constant 256 : i32
        %dma_start3A_140 = tpu.memref_slice %arg7[%dma_start3A_139] : memref<1408xi32, #tpu.memory_space<vmem>> -> memref<128xi32, #tpu.memory_space<vmem>>
        %dma_start3A_141 = arith.constant 0 : i32
        %dma_start3A_142 = tpu.memref_slice %arg2[%dma_start3A_141] : memref<12800000xi32, #tpu.memory_space<hbm>> -> memref<12800000xi32, #tpu.memory_space<hbm>>
        tpu.enqueue_indirect_dma source(%dma_start3A_142 : memref<12800000xi32, #tpu.memory_space<hbm>>) target(%dma_start3A_138 : memref<128xi32, #tpu.memory_space<vmem>>) offsets(%dma_start3A_140 : memref<128xi32, #tpu.memory_space<vmem>>) semaphore(%arg17 : memref<!tpu.dma_semaphore, #tpu.memory_space<semaphore_mem>>)
        %dma_start3A_143 = arith.constant 384 : i32
        %dma_start3A_144 = tpu.memref_slice %arg9[%dma_start3A_143] : memref<1408xi32, #tpu.memory_space<vmem>> -> memref<128xi32, #tpu.memory_space<vmem>>
        %dma_start3A_145 = arith.constant 384 : i32
        %dma_start3A_146 = tpu.memref_slice %arg7[%dma_start3A_145] : memref<1408xi32, #tpu.memory_space<vmem>> -> memref<128xi32, #tpu.memory_space<vmem>>
        %dma_start3A_147 = arith.constant 0 : i32
        %dma_start3A_148 = tpu.memref_slice %arg2[%dma_start3A_147] : memref<12800000xi32, #tpu.memory_space<hbm>> -> memref<12800000xi32, #tpu.memory_space<hbm>>
        tpu.enqueue_indirect_dma source(%dma_start3A_148 : memref<12800000xi32, #tpu.memory_space<hbm>>) target(%dma_start3A_144 : memref<128xi32, #tpu.memory_space<vmem>>) offsets(%dma_start3A_146 : memref<128xi32, #tpu.memory_space<vmem>>) semaphore(%arg17 : memref<!tpu.dma_semaphore, #tpu.memory_space<semaphore_mem>>)
        %dma_start3A_149 = arith.constant 512 : i32
        %dma_start3A_150 = tpu.memref_slice %arg9[%dma_start3A_149] : memref<1408xi32, #tpu.memory_space<vmem>> -> memref<128xi32, #tpu.memory_space<vmem>>
        %dma_start3A_151 = arith.constant 512 : i32
        %dma_start3A_152 = tpu.memref_slice %arg7[%dma_start3A_151] : memref<1408xi32, #tpu.memory_space<vmem>> -> memref<128xi32, #tpu.memory_space<vmem>>
        %dma_start3A_153 = arith.constant 0 : i32
        %dma_start3A_154 = tpu.memref_slice %arg2[%dma_start3A_153] : memref<12800000xi32, #tpu.memory_space<hbm>> -> memref<12800000xi32, #tpu.memory_space<hbm>>
        tpu.enqueue_indirect_dma source(%dma_start3A_154 : memref<12800000xi32, #tpu.memory_space<hbm>>) target(%dma_start3A_150 : memref<128xi32, #tpu.memory_space<vmem>>) offsets(%dma_start3A_152 : memref<128xi32, #tpu.memory_space<vmem>>) semaphore(%arg17 : memref<!tpu.dma_semaphore, #tpu.memory_space<semaphore_mem>>)
        %dma_start3A_155 = arith.constant 640 : i32
        %dma_start3A_156 = tpu.memref_slice %arg9[%dma_start3A_155] : memref<1408xi32, #tpu.memory_space<vmem>> -> memref<128xi32, #tpu.memory_space<vmem>>
        %dma_start3A_157 = arith.constant 640 : i32
        %dma_start3A_158 = tpu.memref_slice %arg7[%dma_start3A_157] : memref<1408xi32, #tpu.memory_space<vmem>> -> memref<128xi32, #tpu.memory_space<vmem>>
        %dma_start3A_159 = arith.constant 0 : i32
        %dma_start3A_160 = tpu.memref_slice %arg2[%dma_start3A_159] : memref<12800000xi32, #tpu.memory_space<hbm>> -> memref<12800000xi32, #tpu.memory_space<hbm>>
        tpu.enqueue_indirect_dma source(%dma_start3A_160 : memref<12800000xi32, #tpu.memory_space<hbm>>) target(%dma_start3A_156 : memref<128xi32, #tpu.memory_space<vmem>>) offsets(%dma_start3A_158 : memref<128xi32, #tpu.memory_space<vmem>>) semaphore(%arg17 : memref<!tpu.dma_semaphore, #tpu.memory_space<semaphore_mem>>)
        %dma_start3A_161 = arith.constant 768 : i32
        %dma_start3A_162 = tpu.memref_slice %arg9[%dma_start3A_161] : memref<1408xi32, #tpu.memory_space<vmem>> -> memref<128xi32, #tpu.memory_space<vmem>>
        %dma_start3A_163 = arith.constant 768 : i32
        %dma_start3A_164 = tpu.memref_slice %arg7[%dma_start3A_163] : memref<1408xi32, #tpu.memory_space<vmem>> -> memref<128xi32, #tpu.memory_space<vmem>>
        %dma_start3A_165 = arith.constant 0 : i32
        %dma_start3A_166 = tpu.memref_slice %arg2[%dma_start3A_165] : memref<12800000xi32, #tpu.memory_space<hbm>> -> memref<12800000xi32, #tpu.memory_space<hbm>>
        tpu.enqueue_indirect_dma source(%dma_start3A_166 : memref<12800000xi32, #tpu.memory_space<hbm>>) target(%dma_start3A_162 : memref<128xi32, #tpu.memory_space<vmem>>) offsets(%dma_start3A_164 : memref<128xi32, #tpu.memory_space<vmem>>) semaphore(%arg17 : memref<!tpu.dma_semaphore, #tpu.memory_space<semaphore_mem>>)
        %dma_start3A_167 = arith.constant 896 : i32
        %dma_start3A_168 = tpu.memref_slice %arg9[%dma_start3A_167] : memref<1408xi32, #tpu.memory_space<vmem>> -> memref<128xi32, #tpu.memory_space<vmem>>
        %dma_start3A_169 = arith.constant 896 : i32
        %dma_start3A_170 = tpu.memref_slice %arg7[%dma_start3A_169] : memref<1408xi32, #tpu.memory_space<vmem>> -> memref<128xi32, #tpu.memory_space<vmem>>
        %dma_start3A_171 = arith.constant 0 : i32
        %dma_start3A_172 = tpu.memref_slice %arg2[%dma_start3A_171] : memref<12800000xi32, #tpu.memory_space<hbm>> -> memref<12800000xi32, #tpu.memory_space<hbm>>
        tpu.enqueue_indirect_dma source(%dma_start3A_172 : memref<12800000xi32, #tpu.memory_space<hbm>>) target(%dma_start3A_168 : memref<128xi32, #tpu.memory_space<vmem>>) offsets(%dma_start3A_170 : memref<128xi32, #tpu.memory_space<vmem>>) semaphore(%arg17 : memref<!tpu.dma_semaphore, #tpu.memory_space<semaphore_mem>>)
        %dma_start3A_173 = arith.constant 1024 : i32
        %dma_start3A_174 = tpu.memref_slice %arg9[%dma_start3A_173] : memref<1408xi32, #tpu.memory_space<vmem>> -> memref<128xi32, #tpu.memory_space<vmem>>
        %dma_start3A_175 = arith.constant 1024 : i32
        %dma_start3A_176 = tpu.memref_slice %arg7[%dma_start3A_175] : memref<1408xi32, #tpu.memory_space<vmem>> -> memref<128xi32, #tpu.memory_space<vmem>>
        %dma_start3A_177 = arith.constant 0 : i32
        %dma_start3A_178 = tpu.memref_slice %arg2[%dma_start3A_177] : memref<12800000xi32, #tpu.memory_space<hbm>> -> memref<12800000xi32, #tpu.memory_space<hbm>>
        tpu.enqueue_indirect_dma source(%dma_start3A_178 : memref<12800000xi32, #tpu.memory_space<hbm>>) target(%dma_start3A_174 : memref<128xi32, #tpu.memory_space<vmem>>) offsets(%dma_start3A_176 : memref<128xi32, #tpu.memory_space<vmem>>) semaphore(%arg17 : memref<!tpu.dma_semaphore, #tpu.memory_space<semaphore_mem>>)
        %dma_start3A_179 = arith.constant 1152 : i32
        %dma_start3A_180 = tpu.memref_slice %arg9[%dma_start3A_179] : memref<1408xi32, #tpu.memory_space<vmem>> -> memref<128xi32, #tpu.memory_space<vmem>>
        %dma_start3A_181 = arith.constant 1152 : i32
        %dma_start3A_182 = tpu.memref_slice %arg7[%dma_start3A_181] : memref<1408xi32, #tpu.memory_space<vmem>> -> memref<128xi32, #tpu.memory_space<vmem>>
        %dma_start3A_183 = arith.constant 0 : i32
        %dma_start3A_184 = tpu.memref_slice %arg2[%dma_start3A_183] : memref<12800000xi32, #tpu.memory_space<hbm>> -> memref<12800000xi32, #tpu.memory_space<hbm>>
        tpu.enqueue_indirect_dma source(%dma_start3A_184 : memref<12800000xi32, #tpu.memory_space<hbm>>) target(%dma_start3A_180 : memref<128xi32, #tpu.memory_space<vmem>>) offsets(%dma_start3A_182 : memref<128xi32, #tpu.memory_space<vmem>>) semaphore(%arg17 : memref<!tpu.dma_semaphore, #tpu.memory_space<semaphore_mem>>)
        %dma_start3A_185 = arith.constant 1280 : i32
        %dma_start3A_186 = tpu.memref_slice %arg9[%dma_start3A_185] : memref<1408xi32, #tpu.memory_space<vmem>> -> memref<128xi32, #tpu.memory_space<vmem>>
        %dma_start3A_187 = arith.constant 1280 : i32
        %dma_start3A_188 = tpu.memref_slice %arg7[%dma_start3A_187] : memref<1408xi32, #tpu.memory_space<vmem>> -> memref<128xi32, #tpu.memory_space<vmem>>
        %dma_start3A_189 = arith.constant 0 : i32
        %dma_start3A_190 = tpu.memref_slice %arg2[%dma_start3A_189] : memref<12800000xi32, #tpu.memory_space<hbm>> -> memref<12800000xi32, #tpu.memory_space<hbm>>
        tpu.enqueue_indirect_dma source(%dma_start3A_190 : memref<12800000xi32, #tpu.memory_space<hbm>>) target(%dma_start3A_186 : memref<128xi32, #tpu.memory_space<vmem>>) offsets(%dma_start3A_188 : memref<128xi32, #tpu.memory_space<vmem>>) semaphore(%arg17 : memref<!tpu.dma_semaphore, #tpu.memory_space<semaphore_mem>>)
      } else {
      }
      %ge3A_100 = arith.constant 16 : i32
      %ge3A_101 = arith.cmpi sge, %add3A, %ge3A_100 : i32
      %convert_element_type3A_102 = arith.extui %ge3A_101 : i1 to i32
      %cond3A_103 = arith.constant 0 : i32
      %cond3A_104 = arith.cmpi ne, %convert_element_type3A_102, %cond3A_103 : i32
      scf.if %cond3A_104 {
        %dma_start3A_125 = arith.constant 0 : i32
        %dma_start3A_126 = tpu.memref_slice %arg9[%dma_start3A_125] : memref<1408xi32, #tpu.memory_space<vmem>> -> memref<128xi32, #tpu.memory_space<vmem>>
        %dma_start3A_127 = arith.constant 0 : i32
        %dma_start3A_128 = tpu.memref_slice %arg7[%dma_start3A_127] : memref<1408xi32, #tpu.memory_space<vmem>> -> memref<128xi32, #tpu.memory_space<vmem>>
        %dma_start3A_129 = arith.constant 0 : i32
        %dma_start3A_130 = tpu.memref_slice %arg3[%dma_start3A_129] : memref<12800000xi32, #tpu.memory_space<hbm>> -> memref<12800000xi32, #tpu.memory_space<hbm>>
        tpu.enqueue_indirect_dma source(%dma_start3A_130 : memref<12800000xi32, #tpu.memory_space<hbm>>) target(%dma_start3A_126 : memref<128xi32, #tpu.memory_space<vmem>>) offsets(%dma_start3A_128 : memref<128xi32, #tpu.memory_space<vmem>>) semaphore(%arg17 : memref<!tpu.dma_semaphore, #tpu.memory_space<semaphore_mem>>)
        %dma_start3A_131 = arith.constant 128 : i32
        %dma_start3A_132 = tpu.memref_slice %arg9[%dma_start3A_131] : memref<1408xi32, #tpu.memory_space<vmem>> -> memref<128xi32, #tpu.memory_space<vmem>>
        %dma_start3A_133 = arith.constant 128 : i32
        %dma_start3A_134 = tpu.memref_slice %arg7[%dma_start3A_133] : memref<1408xi32, #tpu.memory_space<vmem>> -> memref<128xi32, #tpu.memory_space<vmem>>
        %dma_start3A_135 = arith.constant 0 : i32
        %dma_start3A_136 = tpu.memref_slice %arg3[%dma_start3A_135] : memref<12800000xi32, #tpu.memory_space<hbm>> -> memref<12800000xi32, #tpu.memory_space<hbm>>
        tpu.enqueue_indirect_dma source(%dma_start3A_136 : memref<12800000xi32, #tpu.memory_space<hbm>>) target(%dma_start3A_132 : memref<128xi32, #tpu.memory_space<vmem>>) offsets(%dma_start3A_134 : memref<128xi32, #tpu.memory_space<vmem>>) semaphore(%arg17 : memref<!tpu.dma_semaphore, #tpu.memory_space<semaphore_mem>>)
        %dma_start3A_137 = arith.constant 256 : i32
        %dma_start3A_138 = tpu.memref_slice %arg9[%dma_start3A_137] : memref<1408xi32, #tpu.memory_space<vmem>> -> memref<128xi32, #tpu.memory_space<vmem>>
        %dma_start3A_139 = arith.constant 256 : i32
        %dma_start3A_140 = tpu.memref_slice %arg7[%dma_start3A_139] : memref<1408xi32, #tpu.memory_space<vmem>> -> memref<128xi32, #tpu.memory_space<vmem>>
        %dma_start3A_141 = arith.constant 0 : i32
        %dma_start3A_142 = tpu.memref_slice %arg3[%dma_start3A_141] : memref<12800000xi32, #tpu.memory_space<hbm>> -> memref<12800000xi32, #tpu.memory_space<hbm>>
        tpu.enqueue_indirect_dma source(%dma_start3A_142 : memref<12800000xi32, #tpu.memory_space<hbm>>) target(%dma_start3A_138 : memref<128xi32, #tpu.memory_space<vmem>>) offsets(%dma_start3A_140 : memref<128xi32, #tpu.memory_space<vmem>>) semaphore(%arg17 : memref<!tpu.dma_semaphore, #tpu.memory_space<semaphore_mem>>)
        %dma_start3A_143 = arith.constant 384 : i32
        %dma_start3A_144 = tpu.memref_slice %arg9[%dma_start3A_143] : memref<1408xi32, #tpu.memory_space<vmem>> -> memref<128xi32, #tpu.memory_space<vmem>>
        %dma_start3A_145 = arith.constant 384 : i32
        %dma_start3A_146 = tpu.memref_slice %arg7[%dma_start3A_145] : memref<1408xi32, #tpu.memory_space<vmem>> -> memref<128xi32, #tpu.memory_space<vmem>>
        %dma_start3A_147 = arith.constant 0 : i32
        %dma_start3A_148 = tpu.memref_slice %arg3[%dma_start3A_147] : memref<12800000xi32, #tpu.memory_space<hbm>> -> memref<12800000xi32, #tpu.memory_space<hbm>>
        tpu.enqueue_indirect_dma source(%dma_start3A_148 : memref<12800000xi32, #tpu.memory_space<hbm>>) target(%dma_start3A_144 : memref<128xi32, #tpu.memory_space<vmem>>) offsets(%dma_start3A_146 : memref<128xi32, #tpu.memory_space<vmem>>) semaphore(%arg17 : memref<!tpu.dma_semaphore, #tpu.memory_space<semaphore_mem>>)
        %dma_start3A_149 = arith.constant 512 : i32
        %dma_start3A_150 = tpu.memref_slice %arg9[%dma_start3A_149] : memref<1408xi32, #tpu.memory_space<vmem>> -> memref<128xi32, #tpu.memory_space<vmem>>
        %dma_start3A_151 = arith.constant 512 : i32
        %dma_start3A_152 = tpu.memref_slice %arg7[%dma_start3A_151] : memref<1408xi32, #tpu.memory_space<vmem>> -> memref<128xi32, #tpu.memory_space<vmem>>
        %dma_start3A_153 = arith.constant 0 : i32
        %dma_start3A_154 = tpu.memref_slice %arg3[%dma_start3A_153] : memref<12800000xi32, #tpu.memory_space<hbm>> -> memref<12800000xi32, #tpu.memory_space<hbm>>
        tpu.enqueue_indirect_dma source(%dma_start3A_154 : memref<12800000xi32, #tpu.memory_space<hbm>>) target(%dma_start3A_150 : memref<128xi32, #tpu.memory_space<vmem>>) offsets(%dma_start3A_152 : memref<128xi32, #tpu.memory_space<vmem>>) semaphore(%arg17 : memref<!tpu.dma_semaphore, #tpu.memory_space<semaphore_mem>>)
        %dma_start3A_155 = arith.constant 640 : i32
        %dma_start3A_156 = tpu.memref_slice %arg9[%dma_start3A_155] : memref<1408xi32, #tpu.memory_space<vmem>> -> memref<128xi32, #tpu.memory_space<vmem>>
        %dma_start3A_157 = arith.constant 640 : i32
        %dma_start3A_158 = tpu.memref_slice %arg7[%dma_start3A_157] : memref<1408xi32, #tpu.memory_space<vmem>> -> memref<128xi32, #tpu.memory_space<vmem>>
        %dma_start3A_159 = arith.constant 0 : i32
        %dma_start3A_160 = tpu.memref_slice %arg3[%dma_start3A_159] : memref<12800000xi32, #tpu.memory_space<hbm>> -> memref<12800000xi32, #tpu.memory_space<hbm>>
        tpu.enqueue_indirect_dma source(%dma_start3A_160 : memref<12800000xi32, #tpu.memory_space<hbm>>) target(%dma_start3A_156 : memref<128xi32, #tpu.memory_space<vmem>>) offsets(%dma_start3A_158 : memref<128xi32, #tpu.memory_space<vmem>>) semaphore(%arg17 : memref<!tpu.dma_semaphore, #tpu.memory_space<semaphore_mem>>)
        %dma_start3A_161 = arith.constant 768 : i32
        %dma_start3A_162 = tpu.memref_slice %arg9[%dma_start3A_161] : memref<1408xi32, #tpu.memory_space<vmem>> -> memref<128xi32, #tpu.memory_space<vmem>>
        %dma_start3A_163 = arith.constant 768 : i32
        %dma_start3A_164 = tpu.memref_slice %arg7[%dma_start3A_163] : memref<1408xi32, #tpu.memory_space<vmem>> -> memref<128xi32, #tpu.memory_space<vmem>>
        %dma_start3A_165 = arith.constant 0 : i32
        %dma_start3A_166 = tpu.memref_slice %arg3[%dma_start3A_165] : memref<12800000xi32, #tpu.memory_space<hbm>> -> memref<12800000xi32, #tpu.memory_space<hbm>>
        tpu.enqueue_indirect_dma source(%dma_start3A_166 : memref<12800000xi32, #tpu.memory_space<hbm>>) target(%dma_start3A_162 : memref<128xi32, #tpu.memory_space<vmem>>) offsets(%dma_start3A_164 : memref<128xi32, #tpu.memory_space<vmem>>) semaphore(%arg17 : memref<!tpu.dma_semaphore, #tpu.memory_space<semaphore_mem>>)
        %dma_start3A_167 = arith.constant 896 : i32
        %dma_start3A_168 = tpu.memref_slice %arg9[%dma_start3A_167] : memref<1408xi32, #tpu.memory_space<vmem>> -> memref<128xi32, #tpu.memory_space<vmem>>
        %dma_start3A_169 = arith.constant 896 : i32
        %dma_start3A_170 = tpu.memref_slice %arg7[%dma_start3A_169] : memref<1408xi32, #tpu.memory_space<vmem>> -> memref<128xi32, #tpu.memory_space<vmem>>
        %dma_start3A_171 = arith.constant 0 : i32
        %dma_start3A_172 = tpu.memref_slice %arg3[%dma_start3A_171] : memref<12800000xi32, #tpu.memory_space<hbm>> -> memref<12800000xi32, #tpu.memory_space<hbm>>
        tpu.enqueue_indirect_dma source(%dma_start3A_172 : memref<12800000xi32, #tpu.memory_space<hbm>>) target(%dma_start3A_168 : memref<128xi32, #tpu.memory_space<vmem>>) offsets(%dma_start3A_170 : memref<128xi32, #tpu.memory_space<vmem>>) semaphore(%arg17 : memref<!tpu.dma_semaphore, #tpu.memory_space<semaphore_mem>>)
        %dma_start3A_173 = arith.constant 1024 : i32
        %dma_start3A_174 = tpu.memref_slice %arg9[%dma_start3A_173] : memref<1408xi32, #tpu.memory_space<vmem>> -> memref<128xi32, #tpu.memory_space<vmem>>
        %dma_start3A_175 = arith.constant 1024 : i32
        %dma_start3A_176 = tpu.memref_slice %arg7[%dma_start3A_175] : memref<1408xi32, #tpu.memory_space<vmem>> -> memref<128xi32, #tpu.memory_space<vmem>>
        %dma_start3A_177 = arith.constant 0 : i32
        %dma_start3A_178 = tpu.memref_slice %arg3[%dma_start3A_177] : memref<12800000xi32, #tpu.memory_space<hbm>> -> memref<12800000xi32, #tpu.memory_space<hbm>>
        tpu.enqueue_indirect_dma source(%dma_start3A_178 : memref<12800000xi32, #tpu.memory_space<hbm>>) target(%dma_start3A_174 : memref<128xi32, #tpu.memory_space<vmem>>) offsets(%dma_start3A_176 : memref<128xi32, #tpu.memory_space<vmem>>) semaphore(%arg17 : memref<!tpu.dma_semaphore, #tpu.memory_space<semaphore_mem>>)
        %dma_start3A_179 = arith.constant 1152 : i32
        %dma_start3A_180 = tpu.memref_slice %arg9[%dma_start3A_179] : memref<1408xi32, #tpu.memory_space<vmem>> -> memref<128xi32, #tpu.memory_space<vmem>>
        %dma_start3A_181 = arith.constant 1152 : i32
        %dma_start3A_182 = tpu.memref_slice %arg7[%dma_start3A_181] : memref<1408xi32, #tpu.memory_space<vmem>> -> memref<128xi32, #tpu.memory_space<vmem>>
        %dma_start3A_183 = arith.constant 0 : i32
        %dma_start3A_184 = tpu.memref_slice %arg3[%dma_start3A_183] : memref<12800000xi32, #tpu.memory_space<hbm>> -> memref<12800000xi32, #tpu.memory_space<hbm>>
        tpu.enqueue_indirect_dma source(%dma_start3A_184 : memref<12800000xi32, #tpu.memory_space<hbm>>) target(%dma_start3A_180 : memref<128xi32, #tpu.memory_space<vmem>>) offsets(%dma_start3A_182 : memref<128xi32, #tpu.memory_space<vmem>>) semaphore(%arg17 : memref<!tpu.dma_semaphore, #tpu.memory_space<semaphore_mem>>)
        %dma_start3A_185 = arith.constant 1280 : i32
        %dma_start3A_186 = tpu.memref_slice %arg9[%dma_start3A_185] : memref<1408xi32, #tpu.memory_space<vmem>> -> memref<128xi32, #tpu.memory_space<vmem>>
        %dma_start3A_187 = arith.constant 1280 : i32
        %dma_start3A_188 = tpu.memref_slice %arg7[%dma_start3A_187] : memref<1408xi32, #tpu.memory_space<vmem>> -> memref<128xi32, #tpu.memory_space<vmem>>
        %dma_start3A_189 = arith.constant 0 : i32
        %dma_start3A_190 = tpu.memref_slice %arg3[%dma_start3A_189] : memref<12800000xi32, #tpu.memory_space<hbm>> -> memref<12800000xi32, #tpu.memory_space<hbm>>
        tpu.enqueue_indirect_dma source(%dma_start3A_190 : memref<12800000xi32, #tpu.memory_space<hbm>>) target(%dma_start3A_186 : memref<128xi32, #tpu.memory_space<vmem>>) offsets(%dma_start3A_188 : memref<128xi32, #tpu.memory_space<vmem>>) semaphore(%arg17 : memref<!tpu.dma_semaphore, #tpu.memory_space<semaphore_mem>>)
      } else {
      }
      %dma_wait3A_105 = arith.constant 0 : i32
      %dma_wait3A_106 = tpu.memref_slice %arg4[%dma_wait3A_105] : memref<1081344xi32, #tpu.memory_space<hbm>> -> memref<1408xi32, #tpu.memory_space<hbm>>
      %dma_wait3A_107 = arith.constant 0 : i32
      %dma_wait3A_108 = tpu.memref_slice %arg4[%dma_wait3A_107] : memref<1081344xi32, #tpu.memory_space<hbm>> -> memref<1408xi32, #tpu.memory_space<hbm>>
      tpu.wait_dma2 semaphore(%arg18 : memref<!tpu.dma_semaphore, #tpu.memory_space<semaphore_mem>>) src(%dma_wait3A_108 : memref<1408xi32, #tpu.memory_space<hbm>>) dst(%arg10 : memref<1408xi32, #tpu.memory_space<vmem>>)
      %dma_start3A_109 = tpu.memref_slice %arg4[%rem3A_57] : memref<1081344xi32, #tpu.memory_space<hbm>> -> memref<1408xi32, #tpu.memory_space<hbm>>
      %dma_start3A_110 = tpu.memref_slice %arg4[%rem3A_57] : memref<1081344xi32, #tpu.memory_space<hbm>> -> memref<1408xi32, #tpu.memory_space<hbm>>
      tpu.enqueue_dma source(%dma_start3A_110 : memref<1408xi32, #tpu.memory_space<hbm>>) target(%arg8 : memref<1408xi32, #tpu.memory_space<vmem>>) target_semaphore(%arg16 : memref<!tpu.dma_semaphore, #tpu.memory_space<semaphore_mem>>)
      %gt3A_111 = arith.constant 0 : i32
      %gt3A_112 = arith.cmpi sgt, %add3A_43, %gt3A_111 : i32
      %convert_element_type3A_113 = arith.extui %gt3A_112 : i1 to i32
      %cond3A_114 = arith.constant 0 : i32
      %cond3A_115 = arith.cmpi ne, %convert_element_type3A_113, %cond3A_114 : i32
      scf.if %cond3A_115 {
        %dma_wait3A_125 = arith.constant 0 : i32
        %dma_wait3A_126 = tpu.memref_slice %arg5[%dma_wait3A_125] : memref<1081344xf32, #tpu.memory_space<hbm>> -> memref<1408xf32, #tpu.memory_space<hbm>>
        %dma_wait3A_127 = arith.constant 0 : i32
        %dma_wait3A_128 = tpu.memref_slice %arg5[%dma_wait3A_127] : memref<1081344xf32, #tpu.memory_space<hbm>> -> memref<1408xf32, #tpu.memory_space<hbm>>
        tpu.wait_dma2 semaphore(%arg20 : memref<!tpu.dma_semaphore, #tpu.memory_space<semaphore_mem>>) src(%dma_wait3A_128 : memref<1408xf32, #tpu.memory_space<hbm>>) dst(%arg13 : memref<1408xf32, #tpu.memory_space<vmem>>)
        %dma_wait3A_129 = arith.constant 0 : i32
        %dma_wait3A_130 = tpu.memref_slice %arg6[%dma_wait3A_129] : memref<1081344xf32, #tpu.memory_space<hbm>> -> memref<1408xf32, #tpu.memory_space<hbm>>
        %dma_wait3A_131 = arith.constant 0 : i32
        %dma_wait3A_132 = tpu.memref_slice %arg6[%dma_wait3A_131] : memref<1081344xf32, #tpu.memory_space<hbm>> -> memref<1408xf32, #tpu.memory_space<hbm>>
        tpu.wait_dma2 semaphore(%arg20 : memref<!tpu.dma_semaphore, #tpu.memory_space<semaphore_mem>>) src(%dma_wait3A_132 : memref<1408xf32, #tpu.memory_space<hbm>>) dst(%arg14 : memref<1408xf32, #tpu.memory_space<vmem>>)
      } else {
      }
      %scan3A_116 = arith.constant 0 : i32
      %scan3A_117 = arith.constant 88 : i32
      %scan3A_118 = arith.addi %scan3A_116, %scan3A_117 : i32
      %scan3A_119 = arith.constant 1 : i32
      scf.for %scan3A_125 = %scan3A_116 to %scan3A_118 step %scan3A_119  : i32 {
        %mul3A_126 = arith.constant 1 : i32
        %mul3A_127 = arith.muli %scan3A_125, %mul3A_126 : i32
        %add3A_128 = arith.constant 0 : i32
        %add3A_129 = arith.addi %add3A_128, %mul3A_127 : i32
        %mul3A_130 = arith.constant 16 : i32
        %mul3A_131 = arith.muli %add3A_129, %mul3A_130 : i32
        %get3A = arith.index_cast %mul3A_131 : i32 to index
        %get3A_132 = tpu.vector_load %arg10[%get3A] {strides = array<i32>} : memref<1408xi32, #tpu.memory_space<vmem>>, vector<16xi32>,
        %get3A_133 = vector.shape_cast %get3A_132 : vector<16xi32> to vector<16xi32>
        %shift_left3A = arith.constant 16 : i32
        %shift_left3A_134 = vector.broadcast %shift_left3A : i32 to vector<16xi32>
        %shift_left3A_135 = arith.shli %get3A_133, %shift_left3A_134 : vector<16xi32>
        %bitcast_convert_type3A = tpu.bitcast %shift_left3A_135 : vector<16xi32> -> vector<16xf32>
        %mul3A_136 = arith.constant 16 : i32
        %mul3A_137 = arith.muli %add3A_129, %mul3A_136 : i32
        %swap3A = arith.index_cast %mul3A_137 : i32 to index
        %swap3A_138 = tpu.vector_load %arg13[%swap3A] {strides = array<i32>} : memref<1408xf32, #tpu.memory_space<vmem>>, vector<16xf32>,
        %swap3A_139 = vector.shape_cast %swap3A_138 : vector<16xf32> to vector<16xf32>
        %swap3A_140 = vector.shape_cast %bitcast_convert_type3A : vector<16xf32> to vector<16xf32>
        tpu.vector_store %arg13[%swap3A], %swap3A_140 {strides = array<i32>} : memref<1408xf32, #tpu.memory_space<vmem>>, vector<16xf32>,
        %and3A = arith.constant -65536 : i32
        %and3A_141 = vector.broadcast %and3A : i32 to vector<16xi32>
        %and3A_142 = arith.andi %get3A_133, %and3A_141 : vector<16xi32>
        %bitcast_convert_type3A_143 = tpu.bitcast %and3A_142 : vector<16xi32> -> vector<16xf32>
        %mul3A_144 = arith.constant 16 : i32
        %mul3A_145 = arith.muli %add3A_129, %mul3A_144 : i32
        %swap3A_146 = arith.index_cast %mul3A_145 : i32 to index
        %swap3A_147 = tpu.vector_load %arg14[%swap3A_146] {strides = array<i32>} : memref<1408xf32, #tpu.memory_space<vmem>>, vector<16xf32>,
        %swap3A_148 = vector.shape_cast %swap3A_147 : vector<16xf32> to vector<16xf32>
        %swap3A_149 = vector.shape_cast %bitcast_convert_type3A_143 : vector<16xf32> to vector<16xf32>
        tpu.vector_store %arg14[%swap3A_146], %swap3A_149 {strides = array<i32>} : memref<1408xf32, #tpu.memory_space<vmem>>, vector<16xf32>,
      }
      %scan3A_120 = arith.constant 88 : i32
      %dma_start3A_121 = tpu.memref_slice %arg5[%add3A_50] : memref<1081344xf32, #tpu.memory_space<hbm>> -> memref<1408xf32, #tpu.memory_space<hbm>>
      %dma_start3A_122 = tpu.memref_slice %arg5[%add3A_50] : memref<1081344xf32, #tpu.memory_space<hbm>> -> memref<1408xf32, #tpu.memory_space<hbm>>
      tpu.enqueue_dma source(%arg13 : memref<1408xf32, #tpu.memory_space<vmem>>) target(%dma_start3A_122 : memref<1408xf32, #tpu.memory_space<hbm>>) target_semaphore(%arg20 : memref<!tpu.dma_semaphore, #tpu.memory_space<semaphore_mem>>)
      %dma_start3A_123 = tpu.memref_slice %arg6[%add3A_50] : memref<1081344xf32, #tpu.memory_space<hbm>> -> memref<1408xf32, #tpu.memory_space<hbm>>
      %dma_start3A_124 = tpu.memref_slice %arg6[%add3A_50] : memref<1081344xf32, #tpu.memory_space<hbm>> -> memref<1408xf32, #tpu.memory_space<hbm>>
      tpu.enqueue_dma source(%arg14 : memref<1408xf32, #tpu.memory_space<vmem>>) target(%dma_start3A_124 : memref<1408xf32, #tpu.memory_space<hbm>>) target_semaphore(%arg20 : memref<!tpu.dma_semaphore, #tpu.memory_space<semaphore_mem>>)
    }
    %scan3A_15 = arith.constant 12 : i32
    %dma_wait3A = arith.constant 0 : i32
    %dma_wait3A_16 = tpu.memref_slice %arg4[%dma_wait3A] : memref<1081344xi32, #tpu.memory_space<hbm>> -> memref<1408xi32, #tpu.memory_space<hbm>>
    %dma_wait3A_17 = arith.constant 0 : i32
    %dma_wait3A_18 = tpu.memref_slice %arg4[%dma_wait3A_17] : memref<1081344xi32, #tpu.memory_space<hbm>> -> memref<1408xi32, #tpu.memory_space<hbm>>
    tpu.wait_dma2 semaphore(%arg16 : memref<!tpu.dma_semaphore, #tpu.memory_space<semaphore_mem>>) src(%dma_wait3A_18 : memref<1408xi32, #tpu.memory_space<hbm>>) dst(%arg8 : memref<1408xi32, #tpu.memory_space<vmem>>)
    %dma_wait3A_19 = arith.constant 0 : i32
    %dma_wait3A_20 = tpu.memref_slice %arg4[%dma_wait3A_19] : memref<1081344xi32, #tpu.memory_space<hbm>> -> memref<1408xi32, #tpu.memory_space<hbm>>
    %dma_wait3A_21 = arith.constant 0 : i32
    %dma_wait3A_22 = tpu.memref_slice %arg4[%dma_wait3A_21] : memref<1081344xi32, #tpu.memory_space<hbm>> -> memref<1408xi32, #tpu.memory_space<hbm>>
    tpu.wait_dma2 semaphore(%arg17 : memref<!tpu.dma_semaphore, #tpu.memory_space<semaphore_mem>>) src(%dma_wait3A_22 : memref<1408xi32, #tpu.memory_space<hbm>>) dst(%arg9 : memref<1408xi32, #tpu.memory_space<vmem>>)
    %dma_wait3A_23 = arith.constant 0 : i32
    %dma_wait3A_24 = tpu.memref_slice %arg5[%dma_wait3A_23] : memref<1081344xf32, #tpu.memory_space<hbm>> -> memref<1408xf32, #tpu.memory_space<hbm>>
    %dma_wait3A_25 = arith.constant 0 : i32
    %dma_wait3A_26 = tpu.memref_slice %arg5[%dma_wait3A_25] : memref<1081344xf32, #tpu.memory_space<hbm>> -> memref<1408xf32, #tpu.memory_space<hbm>>
    tpu.wait_dma2 semaphore(%arg19 : memref<!tpu.dma_semaphore, #tpu.memory_space<semaphore_mem>>) src(%dma_wait3A_26 : memref<1408xf32, #tpu.memory_space<hbm>>) dst(%arg11 : memref<1408xf32, #tpu.memory_space<vmem>>)
    %dma_wait3A_27 = arith.constant 0 : i32
    %dma_wait3A_28 = tpu.memref_slice %arg6[%dma_wait3A_27] : memref<1081344xf32, #tpu.memory_space<hbm>> -> memref<1408xf32, #tpu.memory_space<hbm>>
    %dma_wait3A_29 = arith.constant 0 : i32
    %dma_wait3A_30 = tpu.memref_slice %arg6[%dma_wait3A_29] : memref<1081344xf32, #tpu.memory_space<hbm>> -> memref<1408xf32, #tpu.memory_space<hbm>>
    tpu.wait_dma2 semaphore(%arg19 : memref<!tpu.dma_semaphore, #tpu.memory_space<semaphore_mem>>) src(%dma_wait3A_30 : memref<1408xf32, #tpu.memory_space<hbm>>) dst(%arg12 : memref<1408xf32, #tpu.memory_space<vmem>>)
    %dma_wait3A_31 = arith.constant 0 : i32
    %dma_wait3A_32 = tpu.memref_slice %arg5[%dma_wait3A_31] : memref<1081344xf32, #tpu.memory_space<hbm>> -> memref<1408xf32, #tpu.memory_space<hbm>>
    %dma_wait3A_33 = arith.constant 0 : i32
    %dma_wait3A_34 = tpu.memref_slice %arg5[%dma_wait3A_33] : memref<1081344xf32, #tpu.memory_space<hbm>> -> memref<1408xf32, #tpu.memory_space<hbm>>
    tpu.wait_dma2 semaphore(%arg20 : memref<!tpu.dma_semaphore, #tpu.memory_space<semaphore_mem>>) src(%dma_wait3A_34 : memref<1408xf32, #tpu.memory_space<hbm>>) dst(%arg13 : memref<1408xf32, #tpu.memory_space<vmem>>)
    %dma_wait3A_35 = arith.constant 0 : i32
    %dma_wait3A_36 = tpu.memref_slice %arg6[%dma_wait3A_35] : memref<1081344xf32, #tpu.memory_space<hbm>> -> memref<1408xf32, #tpu.memory_space<hbm>>
    %dma_wait3A_37 = arith.constant 0 : i32
    %dma_wait3A_38 = tpu.memref_slice %arg6[%dma_wait3A_37] : memref<1081344xf32, #tpu.memory_space<hbm>> -> memref<1408xf32, #tpu.memory_space<hbm>>
    tpu.wait_dma2 semaphore(%arg20 : memref<!tpu.dma_semaphore, #tpu.memory_space<semaphore_mem>>) src(%dma_wait3A_38 : memref<1408xf32, #tpu.memory_space<hbm>>) dst(%arg14 : memref<1408xf32, #tpu.memory_space<vmem>>)
    return
  }
}

#map = affine_map<(d0, d1) -> (0, 0)>
#map1 = affine_map<(d0, d1) -> (0)>
module attributes {stable_mosaic.version = 14 : i64} {
  func.func @k(%arg0: i32, %arg1: i32, %arg2: memref<100000x128xf32, #tpu.memory_space<hbm>>, %arg3: memref<100000x128xf32, #tpu.memory_space<hbm>>, %arg4: memref<256xi32, #tpu.memory_space<hbm>>, %arg5: memref<256x128xf32, #tpu.memory_space<hbm>>, %arg6: memref<256x128xf32, #tpu.memory_space<hbm>>, %arg7: memref<8xi32, #tpu.memory_space<vmem>>, %arg8: memref<8x128xf32, #tpu.memory_space<vmem>>, %arg9: memref<8x128xf32, #tpu.memory_space<vmem>>, %arg10: memref<!tpu.dma_semaphore, #tpu.memory_space<semaphore_mem>>, %arg11: memref<!tpu.dma_semaphore, #tpu.memory_space<semaphore_mem>>) attributes {dimension_semantics = [#tpu.dimension_semantics<core_parallel>, #tpu.dimension_semantics<subcore_parallel>], iteration_bounds = array<i64: 2, 16>, scalar_prefetch = 0 : i64, scratch_operands = 5 : i64, tpu.core_type = #tpu.core_type<sc_vector_subcore>, window_params = [{transform_indices = #map}, {transform_indices = #map}, {transform_indices = #map1}, {transform_indices = #map}, {transform_indices = #map}]} {
    %mul3A = arith.constant 2 : i32
    %mul3A_0 = arith.muli %arg1, %mul3A : i32
    %add3A = arith.addi %mul3A_0, %arg0 : i32
    %mul3A_1 = arith.constant 8 : i32
    %mul3A_2 = arith.muli %add3A, %mul3A_1 : i32
    "tpu.region"() ({
      %run_scoped3A = tpu.sem_alloc : memref<!tpu.dma_semaphore, #tpu.memory_space<semaphore_mem>>
      %dma_start3A_13 = tpu.memref_slice %arg4[%mul3A_2] : memref<256xi32, #tpu.memory_space<hbm>> -> memref<8xi32, #tpu.memory_space<hbm>>
      %dma_start3A_14 = tpu.memref_slice %arg4[%mul3A_2] : memref<256xi32, #tpu.memory_space<hbm>> -> memref<8xi32, #tpu.memory_space<hbm>>
      tpu.enqueue_dma source(%dma_start3A_14 : memref<8xi32, #tpu.memory_space<hbm>>) target(%arg7 : memref<8xi32, #tpu.memory_space<vmem>>) target_semaphore(%run_scoped3A : memref<!tpu.dma_semaphore, #tpu.memory_space<semaphore_mem>>)
      %dma_wait3A_15 = tpu.memref_slice %arg4[%mul3A_2] : memref<256xi32, #tpu.memory_space<hbm>> -> memref<8xi32, #tpu.memory_space<hbm>>
      %dma_wait3A_16 = tpu.memref_slice %arg4[%mul3A_2] : memref<256xi32, #tpu.memory_space<hbm>> -> memref<8xi32, #tpu.memory_space<hbm>>
      tpu.wait_dma2 semaphore(%run_scoped3A : memref<!tpu.dma_semaphore, #tpu.memory_space<semaphore_mem>>) src(%dma_wait3A_16 : memref<8xi32, #tpu.memory_space<hbm>>) dst(%arg7 : memref<8xi32, #tpu.memory_space<vmem>>)
      tpu.yield
    }) : () -> ()
    %dma_start3A = arith.constant 0 : i32
    %dma_start3A_3 = arith.constant 0 : i32
    %dma_start3A_4 = tpu.memref_slice %arg2[%dma_start3A, %dma_start3A_3] : memref<100000x128xf32, #tpu.memory_space<hbm>> -> memref<100000x128xf32, #tpu.memory_space<hbm>>
    tpu.enqueue_indirect_dma source(%dma_start3A_4 : memref<100000x128xf32, #tpu.memory_space<hbm>>) target(%arg8 : memref<8x128xf32, #tpu.memory_space<vmem>>) offsets(%arg7 : memref<8xi32, #tpu.memory_space<vmem>>) semaphore(%arg10 : memref<!tpu.dma_semaphore, #tpu.memory_space<semaphore_mem>>)
    %dma_start3A_5 = arith.constant 0 : i32
    %dma_start3A_6 = arith.constant 0 : i32
    %dma_start3A_7 = tpu.memref_slice %arg3[%dma_start3A_5, %dma_start3A_6] : memref<100000x128xf32, #tpu.memory_space<hbm>> -> memref<100000x128xf32, #tpu.memory_space<hbm>>
    tpu.enqueue_indirect_dma source(%dma_start3A_7 : memref<100000x128xf32, #tpu.memory_space<hbm>>) target(%arg9 : memref<8x128xf32, #tpu.memory_space<vmem>>) offsets(%arg7 : memref<8xi32, #tpu.memory_space<vmem>>) semaphore(%arg11 : memref<!tpu.dma_semaphore, #tpu.memory_space<semaphore_mem>>)
    %dma_wait3A = arith.constant 0 : i32
    %dma_wait3A_8 = arith.constant 0 : i32
    %dma_wait3A_9 = tpu.memref_slice %arg2[%dma_wait3A, %dma_wait3A_8] : memref<100000x128xf32, #tpu.memory_space<hbm>> -> memref<100000x128xf32, #tpu.memory_space<hbm>>
    tpu.wait_indirect_dma semaphore(%arg10 : memref<!tpu.dma_semaphore, #tpu.memory_space<semaphore_mem>>) src(%dma_wait3A_9 : memref<100000x128xf32, #tpu.memory_space<hbm>>) dst(%arg8 : memref<8x128xf32, #tpu.memory_space<vmem>>)
    %dma_wait3A_10 = arith.constant 0 : i32
    %dma_wait3A_11 = arith.constant 0 : i32
    %dma_wait3A_12 = tpu.memref_slice %arg3[%dma_wait3A_10, %dma_wait3A_11] : memref<100000x128xf32, #tpu.memory_space<hbm>> -> memref<100000x128xf32, #tpu.memory_space<hbm>>
    tpu.wait_indirect_dma semaphore(%arg11 : memref<!tpu.dma_semaphore, #tpu.memory_space<semaphore_mem>>) src(%dma_wait3A_12 : memref<100000x128xf32, #tpu.memory_space<hbm>>) dst(%arg9 : memref<8x128xf32, #tpu.memory_space<vmem>>)
    "tpu.region"() ({
      %run_scoped3A = tpu.sem_alloc : memref<!tpu.dma_semaphore, #tpu.memory_space<semaphore_mem>>
      %dma_start3A_13 = arith.constant 0 : i32
      %dma_start3A_14 = tpu.memref_slice %arg5[%mul3A_2, %dma_start3A_13] : memref<256x128xf32, #tpu.memory_space<hbm>> -> memref<8x128xf32, #tpu.memory_space<hbm>>
      %dma_start3A_15 = arith.constant 0 : i32
      %dma_start3A_16 = tpu.memref_slice %arg5[%mul3A_2, %dma_start3A_15] : memref<256x128xf32, #tpu.memory_space<hbm>> -> memref<8x128xf32, #tpu.memory_space<hbm>>
      tpu.enqueue_dma source(%arg8 : memref<8x128xf32, #tpu.memory_space<vmem>>) target(%dma_start3A_16 : memref<8x128xf32, #tpu.memory_space<hbm>>) target_semaphore(%run_scoped3A : memref<!tpu.dma_semaphore, #tpu.memory_space<semaphore_mem>>)
      %dma_wait3A_17 = arith.constant 0 : i32
      %dma_wait3A_18 = tpu.memref_slice %arg5[%mul3A_2, %dma_wait3A_17] : memref<256x128xf32, #tpu.memory_space<hbm>> -> memref<8x128xf32, #tpu.memory_space<hbm>>
      %dma_wait3A_19 = arith.constant 0 : i32
      %dma_wait3A_20 = tpu.memref_slice %arg5[%mul3A_2, %dma_wait3A_19] : memref<256x128xf32, #tpu.memory_space<hbm>> -> memref<8x128xf32, #tpu.memory_space<hbm>>
      tpu.wait_dma2 semaphore(%run_scoped3A : memref<!tpu.dma_semaphore, #tpu.memory_space<semaphore_mem>>) src(%arg8 : memref<8x128xf32, #tpu.memory_space<vmem>>) dst(%dma_wait3A_20 : memref<8x128xf32, #tpu.memory_space<hbm>>)
      tpu.yield
    }) : () -> ()
    "tpu.region"() ({
      %run_scoped3A = tpu.sem_alloc : memref<!tpu.dma_semaphore, #tpu.memory_space<semaphore_mem>>
      %dma_start3A_13 = arith.constant 0 : i32
      %dma_start3A_14 = tpu.memref_slice %arg6[%mul3A_2, %dma_start3A_13] : memref<256x128xf32, #tpu.memory_space<hbm>> -> memref<8x128xf32, #tpu.memory_space<hbm>>
      %dma_start3A_15 = arith.constant 0 : i32
      %dma_start3A_16 = tpu.memref_slice %arg6[%mul3A_2, %dma_start3A_15] : memref<256x128xf32, #tpu.memory_space<hbm>> -> memref<8x128xf32, #tpu.memory_space<hbm>>
      tpu.enqueue_dma source(%arg9 : memref<8x128xf32, #tpu.memory_space<vmem>>) target(%dma_start3A_16 : memref<8x128xf32, #tpu.memory_space<hbm>>) target_semaphore(%run_scoped3A : memref<!tpu.dma_semaphore, #tpu.memory_space<semaphore_mem>>)
      %dma_wait3A_17 = arith.constant 0 : i32
      %dma_wait3A_18 = tpu.memref_slice %arg6[%mul3A_2, %dma_wait3A_17] : memref<256x128xf32, #tpu.memory_space<hbm>> -> memref<8x128xf32, #tpu.memory_space<hbm>>
      %dma_wait3A_19 = arith.constant 0 : i32
      %dma_wait3A_20 = tpu.memref_slice %arg6[%mul3A_2, %dma_wait3A_19] : memref<256x128xf32, #tpu.memory_space<hbm>> -> memref<8x128xf32, #tpu.memory_space<hbm>>
      tpu.wait_dma2 semaphore(%run_scoped3A : memref<!tpu.dma_semaphore, #tpu.memory_space<semaphore_mem>>) src(%arg9 : memref<8x128xf32, #tpu.memory_space<vmem>>) dst(%dma_wait3A_20 : memref<8x128xf32, #tpu.memory_space<hbm>>)
      tpu.yield
    }) : () -> ()
    return
  }
}

module attributes {stable_mosaic.version = 14 : i64} {
  func.func @_embed_body(%arg0: memref<256x1024xf32, #tpu.memory_space<vmem>>, %arg1: memref<256x2048xf32, #tpu.memory_space<vmem>>, %arg2: memref<128x1024xf32, #tpu.memory_space<vmem>>, %arg3: memref<1x128xf32, #tpu.memory_space<vmem>>, %arg4: memref<128x2048xf32, #tpu.memory_space<vmem>>, %arg5: memref<1x128xf32, #tpu.memory_space<vmem>>, %arg6: memref<256x1xi32, #tpu.memory_space<vmem>>, %arg7: memref<1x256xi32, #tpu.memory_space<vmem>>, %arg8: memref<256x128xf32, #tpu.memory_space<vmem>>, %arg9: memref<256x128xf32, #tpu.memory_space<vmem>>, %arg10: memref<256x128xbf16, #tpu.memory_space<vmem>>, %arg11: memref<256x128xbf16, #tpu.memory_space<vmem>>, %arg12: memref<256x128xbf16, #tpu.memory_space<vmem>>, %arg13: memref<256x128xbf16, #tpu.memory_space<vmem>>) attributes {dimension_semantics = [], scalar_prefetch = 0 : i64, scratch_operands = 0 : i64, tpu.core_type = #tpu.core_type<tc>} {
    %get3A = arith.constant 0 : index
    %get3A_0 = arith.constant 0 : index
    %get3A_1 = vector.load %arg0[%get3A, %get3A_0] : memref<256x1024xf32, #tpu.memory_space<vmem>>, vector<256x1024xf32>
    %get3A_2 = arith.constant 0 : index
    %get3A_3 = arith.constant 0 : index
    %get3A_4 = vector.load %arg2[%get3A_2, %get3A_3] : memref<128x1024xf32, #tpu.memory_space<vmem>>, vector<128x1024xf32>
    %dot_general3A = arith.constant dense<0.000000e+00> : vector<256x128xf32>
    %dot_general3A_5 = tpu.matmul %get3A_1, %get3A_4, %dot_general3A {dimension_numbers = #tpu.dot_dimension_numbers<[1], [1], [0], [0], [0, 0, 1, 0], [], []>, transpose_lhs_hint = false} : vector<256x1024xf32>, vector<128x1024xf32>, vector<256x128xf32> -> vector<256x128xf32>
    %get3A_6 = arith.constant 0 : index
    %get3A_7 = arith.constant 0 : index
    %get3A_8 = vector.load %arg3[%get3A_6, %get3A_7] : memref<1x128xf32, #tpu.memory_space<vmem>>, vector<1x128xf32>
    %add3A = vector.broadcast %get3A_8 : vector<1x128xf32> to vector<256x128xf32>
    %add3A_9 = arith.addf %dot_general3A_5, %add3A : vector<256x128xf32>
    %mul3A = arith.mulf %add3A_9, %add3A_9 : vector<256x128xf32>
    %reduce_sum3A = arith.constant dense<0.000000e+00> : vector<256xf32>
    %reduce_sum3A_10 = vector.multi_reduction <add>, %mul3A, %reduce_sum3A [1] : vector<256x128xf32> to vector<256xf32>
    %broadcast_in_dim3A = vector.shape_cast %reduce_sum3A_10 : vector<256xf32> to vector<256x1xf32>
    %sqrt3A = math.sqrt %broadcast_in_dim3A : vector<256x1xf32>
    %div3A = vector.broadcast %sqrt3A : vector<256x1xf32> to vector<256x128xf32>
    %div3A_11 = arith.divf %add3A_9, %div3A : vector<256x128xf32>
    %get3A_12 = arith.constant 0 : index
    %get3A_13 = arith.constant 0 : index
    %get3A_14 = vector.load %arg1[%get3A_12, %get3A_13] : memref<256x2048xf32, #tpu.memory_space<vmem>>, vector<256x2048xf32>
    %get3A_15 = arith.constant 0 : index
    %get3A_16 = arith.constant 0 : index
    %get3A_17 = vector.load %arg4[%get3A_15, %get3A_16] : memref<128x2048xf32, #tpu.memory_space<vmem>>, vector<128x2048xf32>
    %dot_general3A_18 = arith.constant dense<0.000000e+00> : vector<256x128xf32>
    %dot_general3A_19 = tpu.matmul %get3A_14, %get3A_17, %dot_general3A_18 {dimension_numbers = #tpu.dot_dimension_numbers<[1], [1], [0], [0], [0, 0, 1, 0], [], []>, transpose_lhs_hint = false} : vector<256x2048xf32>, vector<128x2048xf32>, vector<256x128xf32> -> vector<256x128xf32>
    %get3A_20 = arith.constant 0 : index
    %get3A_21 = arith.constant 0 : index
    %get3A_22 = vector.load %arg5[%get3A_20, %get3A_21] : memref<1x128xf32, #tpu.memory_space<vmem>>, vector<1x128xf32>
    %add3A_23 = vector.broadcast %get3A_22 : vector<1x128xf32> to vector<256x128xf32>
    %add3A_24 = arith.addf %dot_general3A_19, %add3A_23 : vector<256x128xf32>
    %mul3A_25 = arith.mulf %add3A_24, %add3A_24 : vector<256x128xf32>
    %reduce_sum3A_26 = arith.constant dense<0.000000e+00> : vector<256xf32>
    %reduce_sum3A_27 = vector.multi_reduction <add>, %mul3A_25, %reduce_sum3A_26 [1] : vector<256x128xf32> to vector<256xf32>
    %broadcast_in_dim3A_28 = vector.shape_cast %reduce_sum3A_27 : vector<256xf32> to vector<256x1xf32>
    %sqrt3A_29 = math.sqrt %broadcast_in_dim3A_28 : vector<256x1xf32>
    %div3A_30 = vector.broadcast %sqrt3A_29 : vector<256x1xf32> to vector<256x128xf32>
    %div3A_31 = arith.divf %add3A_24, %div3A_30 : vector<256x128xf32>
    %get3A_32 = arith.constant 0 : index
    %get3A_33 = arith.constant 0 : index
    %get3A_34 = vector.load %arg8[%get3A_32, %get3A_33] : memref<256x128xf32, #tpu.memory_space<vmem>>, vector<256x128xf32>
    %mul3A_35 = arith.constant 5.000000e-01 : f32
    %mul3A_36 = vector.broadcast %mul3A_35 : f32 to vector<256x128xf32>
    %mul3A_37 = arith.mulf %get3A_34, %mul3A_36 : vector<256x128xf32>
    %mul3A_38 = arith.constant 5.000000e-01 : f32
    %mul3A_39 = vector.broadcast %mul3A_38 : f32 to vector<256x128xf32>
    %mul3A_40 = arith.mulf %div3A_11, %mul3A_39 : vector<256x128xf32>
    %add3A_41 = arith.addf %mul3A_37, %mul3A_40 : vector<256x128xf32>
    %mul3A_42 = arith.mulf %add3A_41, %add3A_41 : vector<256x128xf32>
    %reduce_sum3A_43 = arith.constant dense<0.000000e+00> : vector<256xf32>
    %reduce_sum3A_44 = vector.multi_reduction <add>, %mul3A_42, %reduce_sum3A_43 [1] : vector<256x128xf32> to vector<256xf32>
    %broadcast_in_dim3A_45 = vector.shape_cast %reduce_sum3A_44 : vector<256xf32> to vector<256x1xf32>
    %sqrt3A_46 = math.sqrt %broadcast_in_dim3A_45 : vector<256x1xf32>
    %div3A_47 = vector.broadcast %sqrt3A_46 : vector<256x1xf32> to vector<256x128xf32>
    %div3A_48 = arith.divf %add3A_41, %div3A_47 : vector<256x128xf32>
    %get3A_49 = arith.constant 0 : index
    %get3A_50 = arith.constant 0 : index
    %get3A_51 = vector.load %arg9[%get3A_49, %get3A_50] : memref<256x128xf32, #tpu.memory_space<vmem>>, vector<256x128xf32>
    %mul3A_52 = arith.constant 5.000000e-01 : f32
    %mul3A_53 = vector.broadcast %mul3A_52 : f32 to vector<256x128xf32>
    %mul3A_54 = arith.mulf %get3A_51, %mul3A_53 : vector<256x128xf32>
    %mul3A_55 = arith.constant 5.000000e-01 : f32
    %mul3A_56 = vector.broadcast %mul3A_55 : f32 to vector<256x128xf32>
    %mul3A_57 = arith.mulf %div3A_31, %mul3A_56 : vector<256x128xf32>
    %add3A_58 = arith.addf %mul3A_54, %mul3A_57 : vector<256x128xf32>
    %mul3A_59 = arith.mulf %add3A_58, %add3A_58 : vector<256x128xf32>
    %reduce_sum3A_60 = arith.constant dense<0.000000e+00> : vector<256xf32>
    %reduce_sum3A_61 = vector.multi_reduction <add>, %mul3A_59, %reduce_sum3A_60 [1] : vector<256x128xf32> to vector<256xf32>
    %broadcast_in_dim3A_62 = vector.shape_cast %reduce_sum3A_61 : vector<256xf32> to vector<256x1xf32>
    %sqrt3A_63 = math.sqrt %broadcast_in_dim3A_62 : vector<256x1xf32>
    %div3A_64 = vector.broadcast %sqrt3A_63 : vector<256x1xf32> to vector<256x128xf32>
    %div3A_65 = arith.divf %add3A_58, %div3A_64 : vector<256x128xf32>
    %iota3A = tpu.iota {dimensions = array<i32: 0>} : vector<256x256xi32>
    %iota3A_66 = tpu.iota {dimensions = array<i32: 1>} : vector<256x256xi32>
    %get3A_67 = arith.constant 0 : index
    %get3A_68 = arith.constant 0 : index
    %get3A_69 = vector.load %arg6[%get3A_67, %get3A_68] : memref<256x1xi32, #tpu.memory_space<vmem>>, vector<256x1xi32>
    %get3A_70 = arith.constant 0 : index
    %get3A_71 = arith.constant 0 : index
    %get3A_72 = vector.load %arg7[%get3A_70, %get3A_71] : memref<1x256xi32, #tpu.memory_space<vmem>>, vector<1x256xi32>
    %eq3A = vector.broadcast %get3A_69 : vector<256x1xi32> to vector<256x256xi32>
    %eq3A_73 = vector.broadcast %get3A_72 : vector<1x256xi32> to vector<256x256xi32>
    %eq3A_74 = arith.cmpi eq, %eq3A, %eq3A_73 : vector<256x256xi32>
    %gt3A = arith.cmpi sgt, %iota3A_66, %iota3A : vector<256x256xi32>
    %and3A = arith.andi %eq3A_74, %gt3A : vector<256x256xi1>
    %reduce_or3A = arith.constant 1.000000e+00 : f32
    %reduce_or3A_75 = arith.constant 0.000000e+00 : f32
    %reduce_or3A_76 = vector.broadcast %reduce_or3A : f32 to vector<256x256xf32>
    %reduce_or3A_77 = vector.broadcast %reduce_or3A_75 : f32 to vector<256x256xf32>
    %reduce_or3A_78 = arith.select %and3A, %reduce_or3A_76, %reduce_or3A_77 : vector<256x256xi1>, vector<256x256xf32>
    %reduce_or3A_79 = arith.constant dense<0xFF800000> : vector<256xf32>
    %reduce_or3A_80 = vector.multi_reduction <maximumf>, %reduce_or3A_78, %reduce_or3A_79 [1] : vector<256x256xf32> to vector<256xf32>
    %reduce_or3A_81 = arith.constant 0.000000e+00 : f32
    %reduce_or3A_82 = vector.broadcast %reduce_or3A_81 : f32 to vector<256xf32>
    %reduce_or3A_83 = arith.cmpf ogt, %reduce_or3A_80, %reduce_or3A_82 : vector<256xf32>
    %broadcast_in_dim3A_84 = vector.shape_cast %reduce_or3A_83 : vector<256xi1> to vector<256x1xi1>
    %convert_element_type3A = arith.extui %broadcast_in_dim3A_84 : vector<256x1xi1> to vector<256x1xi32>
    %convert_element_type3A_85 = arith.sitofp %convert_element_type3A : vector<256x1xi32> to vector<256x1xf32>
    %sub3A = arith.constant 1.000000e+00 : f32
    %sub3A_86 = vector.broadcast %sub3A : f32 to vector<256x1xf32>
    %sub3A_87 = arith.subf %sub3A_86, %convert_element_type3A_85 : vector<256x1xf32>
    %convert_element_type3A_88 = arith.truncf %div3A_11 : vector<256x128xf32> to vector<256x128xbf16>
    %swap3A = arith.constant 0 : index
    %swap3A_89 = arith.constant 0 : index
    %swap3A_90 = vector.load %arg10[%swap3A, %swap3A_89] : memref<256x128xbf16, #tpu.memory_space<vmem>>, vector<256x128xbf16>
    tpu.vector_store %arg10[%swap3A, %swap3A_89], %convert_element_type3A_88 {strides = array<i32>} : memref<256x128xbf16, #tpu.memory_space<vmem>>, vector<256x128xbf16>,
    %convert_element_type3A_91 = arith.truncf %div3A_31 : vector<256x128xf32> to vector<256x128xbf16>
    %swap3A_92 = arith.constant 0 : index
    %swap3A_93 = arith.constant 0 : index
    %swap3A_94 = vector.load %arg11[%swap3A_92, %swap3A_93] : memref<256x128xbf16, #tpu.memory_space<vmem>>, vector<256x128xbf16>
    tpu.vector_store %arg11[%swap3A_92, %swap3A_93], %convert_element_type3A_91 {strides = array<i32>} : memref<256x128xbf16, #tpu.memory_space<vmem>>, vector<256x128xbf16>,
    %get3A_95 = arith.constant 0 : index
    %get3A_96 = arith.constant 0 : index
    %get3A_97 = vector.load %arg8[%get3A_95, %get3A_96] : memref<256x128xf32, #tpu.memory_space<vmem>>, vector<256x128xf32>
    %sub3A_98 = arith.subf %div3A_48, %get3A_97 : vector<256x128xf32>
    %mul3A_99 = vector.broadcast %sub3A_87 : vector<256x1xf32> to vector<256x128xf32>
    %mul3A_100 = arith.mulf %sub3A_98, %mul3A_99 : vector<256x128xf32>
    %convert_element_type3A_101 = arith.truncf %mul3A_100 : vector<256x128xf32> to vector<256x128xbf16>
    %swap3A_102 = arith.constant 0 : index
    %swap3A_103 = arith.constant 0 : index
    %swap3A_104 = vector.load %arg12[%swap3A_102, %swap3A_103] : memref<256x128xbf16, #tpu.memory_space<vmem>>, vector<256x128xbf16>
    tpu.vector_store %arg12[%swap3A_102, %swap3A_103], %convert_element_type3A_101 {strides = array<i32>} : memref<256x128xbf16, #tpu.memory_space<vmem>>, vector<256x128xbf16>,
    %get3A_105 = arith.constant 0 : index
    %get3A_106 = arith.constant 0 : index
    %get3A_107 = vector.load %arg9[%get3A_105, %get3A_106] : memref<256x128xf32, #tpu.memory_space<vmem>>, vector<256x128xf32>
    %sub3A_108 = arith.subf %div3A_65, %get3A_107 : vector<256x128xf32>
    %mul3A_109 = vector.broadcast %sub3A_87 : vector<256x1xf32> to vector<256x128xf32>
    %mul3A_110 = arith.mulf %sub3A_108, %mul3A_109 : vector<256x128xf32>
    %convert_element_type3A_111 = arith.truncf %mul3A_110 : vector<256x128xf32> to vector<256x128xbf16>
    %swap3A_112 = arith.constant 0 : index
    %swap3A_113 = arith.constant 0 : index
    %swap3A_114 = vector.load %arg13[%swap3A_112, %swap3A_113] : memref<256x128xbf16, #tpu.memory_space<vmem>>, vector<256x128xbf16>
    tpu.vector_store %arg13[%swap3A_112, %swap3A_113], %convert_element_type3A_111 {strides = array<i32>} : memref<256x128xbf16, #tpu.memory_space<vmem>>, vector<256x128xbf16>,
    return
  }
}

module attributes {stable_mosaic.version = 14 : i64} {
  func.func @_big_body(%arg0: i32, %arg1: memref<1x256xi32, #tpu.memory_space<vmem>>, %arg2: memref<2000x128xf32, #tpu.memory_space<vmem>>, %arg3: memref<2000x128xf32, #tpu.memory_space<vmem>>, %arg4: memref<256x128xbf16, #tpu.memory_space<vmem>>, %arg5: memref<256x128xbf16, #tpu.memory_space<vmem>>, %arg6: memref<256x128xbf16, #tpu.memory_space<vmem>>, %arg7: memref<256x128xbf16, #tpu.memory_space<vmem>>, %arg8: memref<2000x128xf32, #tpu.memory_space<vmem>>, %arg9: memref<2000x128xf32, #tpu.memory_space<vmem>>, %arg10: memref<2000x128xi32, #tpu.memory_space<vmem>>, %arg11: memref<2000x128xi32, #tpu.memory_space<vmem>>) attributes {dimension_semantics = [#tpu.dimension_semantics<arbitrary>], iteration_bounds = array<i64: 50>, scalar_prefetch = 0 : i64, scratch_operands = 0 : i64, tpu.core_type = #tpu.core_type<tc>, window_params = [{pipeline_mode = #tpu.pipeline_mode<synchronous>, transform_indices = @transform_0, window_bounds = array<i64: 1, 256>}, {transform_indices = @transform_1, window_bounds = array<i64: 2000, 128>}, {transform_indices = @transform_2, window_bounds = array<i64: 2000, 128>}, {pipeline_mode = #tpu.pipeline_mode<synchronous>, transform_indices = @transform_3, window_bounds = array<i64: 256, 128>}, {pipeline_mode = #tpu.pipeline_mode<synchronous>, transform_indices = @transform_4, window_bounds = array<i64: 256, 128>}, {pipeline_mode = #tpu.pipeline_mode<synchronous>, transform_indices = @transform_5, window_bounds = array<i64: 256, 128>}, {pipeline_mode = #tpu.pipeline_mode<synchronous>, transform_indices = @transform_6, window_bounds = array<i64: 256, 128>}, {transform_indices = @transform_7, window_bounds = array<i64: 2000, 128>}, {transform_indices = @transform_8, window_bounds = array<i64: 2000, 128>}, {transform_indices = @transform_9, window_bounds = array<i64: 2000, 128>}, {transform_indices = @transform_10, window_bounds = array<i64: 2000, 128>}]} {
    %get3A = arith.constant 0 : index
    %get3A_0 = arith.constant 0 : index
    %get3A_1 = vector.load %arg2[%get3A, %get3A_0] : memref<2000x128xf32, #tpu.memory_space<vmem>>, vector<2000x128xf32>
    %get3A_2 = arith.constant 0 : index
    %get3A_3 = arith.constant 0 : index
    %get3A_4 = vector.load %arg3[%get3A_2, %get3A_3] : memref<2000x128xf32, #tpu.memory_space<vmem>>, vector<2000x128xf32>
    %iota3A = tpu.iota {dimensions = array<i32: 0>} : vector<2000x256xi32>
    %mul3A = arith.constant 2000 : i32
    %mul3A_5 = arith.muli %arg0, %mul3A : i32
    %add3A = vector.broadcast %mul3A_5 : i32 to vector<2000x256xi32>
    %add3A_6 = arith.addi %iota3A, %add3A : vector<2000x256xi32>
    %get3A_7 = arith.constant 0 : index
    %get3A_8 = arith.constant 0 : index
    %get3A_9 = vector.load %arg1[%get3A_7, %get3A_8] : memref<1x256xi32, #tpu.memory_space<vmem>>, vector<1x256xi32>
    %eq3A = vector.broadcast %get3A_9 : vector<1x256xi32> to vector<2000x256xi32>
    %eq3A_10 = arith.cmpi eq, %add3A_6, %eq3A : vector<2000x256xi32>
    %convert_element_type3A = arith.extui %eq3A_10 : vector<2000x256xi1> to vector<2000x256xi32>
    %convert_element_type3A_11 = arith.sitofp %convert_element_type3A : vector<2000x256xi32> to vector<2000x256xf32>
    %convert_element_type3A_12 = arith.truncf %convert_element_type3A_11 : vector<2000x256xf32> to vector<2000x256xbf16>
    %get3A_13 = arith.constant 0 : index
    %get3A_14 = arith.constant 0 : index
    %get3A_15 = vector.load %arg6[%get3A_13, %get3A_14] : memref<256x128xbf16, #tpu.memory_space<vmem>>, vector<256x128xbf16>
    %dot_general3A = arith.constant dense<0.000000e+00> : vector<2000x128xf32>
    %dot_general3A_16 = tpu.matmul %convert_element_type3A_12, %get3A_15, %dot_general3A {dimension_numbers = #tpu.dot_dimension_numbers<[1], [0], [0], [1], [0, 0, 1, 1], [], []>, transpose_lhs_hint = false} : vector<2000x256xbf16>, vector<256x128xbf16>, vector<2000x128xf32> -> vector<2000x128xf32>
    %add3A_17 = arith.addf %get3A_1, %dot_general3A_16 : vector<2000x128xf32>
    %swap3A = arith.constant 0 : index
    %swap3A_18 = arith.constant 0 : index
    %swap3A_19 = vector.load %arg8[%swap3A, %swap3A_18] : memref<2000x128xf32, #tpu.memory_space<vmem>>, vector<2000x128xf32>
    tpu.vector_store %arg8[%swap3A, %swap3A_18], %add3A_17 {strides = array<i32>} : memref<2000x128xf32, #tpu.memory_space<vmem>>, vector<2000x128xf32>,
    %get3A_20 = arith.constant 0 : index
    %get3A_21 = arith.constant 0 : index
    %get3A_22 = vector.load %arg7[%get3A_20, %get3A_21] : memref<256x128xbf16, #tpu.memory_space<vmem>>, vector<256x128xbf16>
    %dot_general3A_23 = arith.constant dense<0.000000e+00> : vector<2000x128xf32>
    %dot_general3A_24 = tpu.matmul %convert_element_type3A_12, %get3A_22, %dot_general3A_23 {dimension_numbers = #tpu.dot_dimension_numbers<[1], [0], [0], [1], [0, 0, 1, 1], [], []>, transpose_lhs_hint = false} : vector<2000x256xbf16>, vector<256x128xbf16>, vector<2000x128xf32> -> vector<2000x128xf32>
    %add3A_25 = arith.addf %get3A_4, %dot_general3A_24 : vector<2000x128xf32>
    %swap3A_26 = arith.constant 0 : index
    %swap3A_27 = arith.constant 0 : index
    %swap3A_28 = vector.load %arg9[%swap3A_26, %swap3A_27] : memref<2000x128xf32, #tpu.memory_space<vmem>>, vector<2000x128xf32>
    tpu.vector_store %arg9[%swap3A_26, %swap3A_27], %add3A_25 {strides = array<i32>} : memref<2000x128xf32, #tpu.memory_space<vmem>>, vector<2000x128xf32>,
    %convert_element_type3A_29 = arith.truncf %get3A_1 : vector<2000x128xf32> to vector<2000x128xbf16>
    %convert_element_type3A_30 = arith.truncf %get3A_4 : vector<2000x128xf32> to vector<2000x128xbf16>
    %get3A_31 = arith.constant 0 : index
    %get3A_32 = arith.constant 0 : index
    %get3A_33 = vector.load %arg5[%get3A_31, %get3A_32] : memref<256x128xbf16, #tpu.memory_space<vmem>>, vector<128x128xbf16>
    %dot_general3A_34 = arith.constant dense<0.000000e+00> : vector<2000x128xf32>
    %dot_general3A_35 = tpu.matmul %convert_element_type3A_29, %get3A_33, %dot_general3A_34 {dimension_numbers = #tpu.dot_dimension_numbers<[1], [1], [0], [0], [0, 0, 1, 0], [], []>, transpose_lhs_hint = false} : vector<2000x128xbf16>, vector<128x128xbf16>, vector<2000x128xf32> -> vector<2000x128xf32>
    %get3A_36 = arith.constant 0 : index
    %get3A_37 = arith.constant 0 : index
    %get3A_38 = vector.load %arg4[%get3A_36, %get3A_37] : memref<256x128xbf16, #tpu.memory_space<vmem>>, vector<128x128xbf16>
    %dot_general3A_39 = arith.constant dense<0.000000e+00> : vector<2000x128xf32>
    %dot_general3A_40 = tpu.matmul %convert_element_type3A_30, %get3A_38, %dot_general3A_39 {dimension_numbers = #tpu.dot_dimension_numbers<[1], [1], [0], [0], [0, 0, 1, 0], [], []>, transpose_lhs_hint = false} : vector<2000x128xbf16>, vector<128x128xbf16>, vector<2000x128xf32> -> vector<2000x128xf32>
    %get3A_41 = arith.constant 128 : index
    %get3A_42 = arith.constant 0 : index
    %get3A_43 = vector.load %arg5[%get3A_41, %get3A_42] : memref<256x128xbf16, #tpu.memory_space<vmem>>, vector<128x128xbf16>
    %dot_general3A_44 = arith.constant dense<0.000000e+00> : vector<2000x128xf32>
    %dot_general3A_45 = tpu.matmul %convert_element_type3A_29, %get3A_43, %dot_general3A_44 {dimension_numbers = #tpu.dot_dimension_numbers<[1], [1], [0], [0], [0, 0, 1, 0], [], []>, transpose_lhs_hint = false} : vector<2000x128xbf16>, vector<128x128xbf16>, vector<2000x128xf32> -> vector<2000x128xf32>
    %get3A_46 = arith.constant 128 : index
    %get3A_47 = arith.constant 0 : index
    %get3A_48 = vector.load %arg4[%get3A_46, %get3A_47] : memref<256x128xbf16, #tpu.memory_space<vmem>>, vector<128x128xbf16>
    %dot_general3A_49 = arith.constant dense<0.000000e+00> : vector<2000x128xf32>
    %dot_general3A_50 = tpu.matmul %convert_element_type3A_30, %get3A_48, %dot_general3A_49 {dimension_numbers = #tpu.dot_dimension_numbers<[1], [1], [0], [0], [0, 0, 1, 0], [], []>, transpose_lhs_hint = false} : vector<2000x128xbf16>, vector<128x128xbf16>, vector<2000x128xf32> -> vector<2000x128xf32>
    %bitcast_convert_type3A = tpu.bitcast %dot_general3A_35 : vector<2000x128xf32> -> vector<2000x128xi32>
    %add3A_51 = arith.constant 32768 : i32
    %add3A_52 = vector.broadcast %add3A_51 : i32 to vector<2000x128xi32>
    %add3A_53 = arith.addi %bitcast_convert_type3A, %add3A_52 : vector<2000x128xi32>
    %bitcast_convert_type3A_54 = tpu.bitcast %dot_general3A_40 : vector<2000x128xf32> -> vector<2000x128xi32>
    %add3A_55 = arith.constant 32768 : i32
    %add3A_56 = vector.broadcast %add3A_55 : i32 to vector<2000x128xi32>
    %add3A_57 = arith.addi %bitcast_convert_type3A_54, %add3A_56 : vector<2000x128xi32>
    %shift_right_logical3A = arith.constant 16 : i32
    %shift_right_logical3A_58 = vector.broadcast %shift_right_logical3A : i32 to vector<2000x128xi32>
    %shift_right_logical3A_59 = arith.shrui %add3A_53, %shift_right_logical3A_58 : vector<2000x128xi32>
    %and3A = arith.constant -65536 : i32
    %and3A_60 = vector.broadcast %and3A : i32 to vector<2000x128xi32>
    %and3A_61 = arith.andi %add3A_57, %and3A_60 : vector<2000x128xi32>
    %or3A = arith.ori %shift_right_logical3A_59, %and3A_61 : vector<2000x128xi32>
    %bitcast_convert_type3A_62 = tpu.bitcast %or3A : vector<2000x128xi32> -> vector<2000x128xi32>
    %swap3A_63 = arith.constant 0 : index
    %swap3A_64 = arith.constant 0 : index
    %swap3A_65 = vector.load %arg10[%swap3A_63, %swap3A_64] : memref<2000x128xi32, #tpu.memory_space<vmem>>, vector<2000x128xi32>
    tpu.vector_store %arg10[%swap3A_63, %swap3A_64], %bitcast_convert_type3A_62 {strides = array<i32>} : memref<2000x128xi32, #tpu.memory_space<vmem>>, vector<2000x128xi32>,
    %bitcast_convert_type3A_66 = tpu.bitcast %dot_general3A_45 : vector<2000x128xf32> -> vector<2000x128xi32>
    %add3A_67 = arith.constant 32768 : i32
    %add3A_68 = vector.broadcast %add3A_67 : i32 to vector<2000x128xi32>
    %add3A_69 = arith.addi %bitcast_convert_type3A_66, %add3A_68 : vector<2000x128xi32>
    %bitcast_convert_type3A_70 = tpu.bitcast %dot_general3A_50 : vector<2000x128xf32> -> vector<2000x128xi32>
    %add3A_71 = arith.constant 32768 : i32
    %add3A_72 = vector.broadcast %add3A_71 : i32 to vector<2000x128xi32>
    %add3A_73 = arith.addi %bitcast_convert_type3A_70, %add3A_72 : vector<2000x128xi32>
    %shift_right_logical3A_74 = arith.constant 16 : i32
    %shift_right_logical3A_75 = vector.broadcast %shift_right_logical3A_74 : i32 to vector<2000x128xi32>
    %shift_right_logical3A_76 = arith.shrui %add3A_69, %shift_right_logical3A_75 : vector<2000x128xi32>
    %and3A_77 = arith.constant -65536 : i32
    %and3A_78 = vector.broadcast %and3A_77 : i32 to vector<2000x128xi32>
    %and3A_79 = arith.andi %add3A_73, %and3A_78 : vector<2000x128xi32>
    %or3A_80 = arith.ori %shift_right_logical3A_76, %and3A_79 : vector<2000x128xi32>
    %bitcast_convert_type3A_81 = tpu.bitcast %or3A_80 : vector<2000x128xi32> -> vector<2000x128xi32>
    %swap3A_82 = arith.constant 0 : index
    %swap3A_83 = arith.constant 0 : index
    %swap3A_84 = vector.load %arg11[%swap3A_82, %swap3A_83] : memref<2000x128xi32, #tpu.memory_space<vmem>>, vector<2000x128xi32>
    tpu.vector_store %arg11[%swap3A_82, %swap3A_83], %bitcast_convert_type3A_81 {strides = array<i32>} : memref<2000x128xi32, #tpu.memory_space<vmem>>, vector<2000x128xi32>,
    return
  }
  func.func @transform_0(%arg0: i32) -> (i32, i32) {
    %c0_i32 = arith.constant 0 : i32
    %c0_i32_0 = arith.constant 0 : i32
    %c0_i32_1 = arith.constant 0 : i32
    return %c0_i32, %c0_i32_0 : i32, i32
  }
  func.func @transform_1(%arg0: i32) -> (i32, i32) {
    %c0_i32 = arith.constant 0 : i32
    %c0_i32_0 = arith.constant 0 : i32
    return %arg0, %c0_i32 : i32, i32
  }
  func.func @transform_2(%arg0: i32) -> (i32, i32) {
    %c0_i32 = arith.constant 0 : i32
    %c0_i32_0 = arith.constant 0 : i32
    return %arg0, %c0_i32 : i32, i32
  }
  func.func @transform_3(%arg0: i32) -> (i32, i32) {
    %c0_i32 = arith.constant 0 : i32
    %c0_i32_0 = arith.constant 0 : i32
    %c0_i32_1 = arith.constant 0 : i32
    return %c0_i32, %c0_i32_0 : i32, i32
  }
  func.func @transform_4(%arg0: i32) -> (i32, i32) {
    %c0_i32 = arith.constant 0 : i32
    %c0_i32_0 = arith.constant 0 : i32
    %c0_i32_1 = arith.constant 0 : i32
    return %c0_i32, %c0_i32_0 : i32, i32
  }
  func.func @transform_5(%arg0: i32) -> (i32, i32) {
    %c0_i32 = arith.constant 0 : i32
    %c0_i32_0 = arith.constant 0 : i32
    %c0_i32_1 = arith.constant 0 : i32
    return %c0_i32, %c0_i32_0 : i32, i32
  }
  func.func @transform_6(%arg0: i32) -> (i32, i32) {
    %c0_i32 = arith.constant 0 : i32
    %c0_i32_0 = arith.constant 0 : i32
    %c0_i32_1 = arith.constant 0 : i32
    return %c0_i32, %c0_i32_0 : i32, i32
  }
  func.func @transform_7(%arg0: i32) -> (i32, i32) {
    %c0_i32 = arith.constant 0 : i32
    %c0_i32_0 = arith.constant 0 : i32
    return %arg0, %c0_i32 : i32, i32
  }
  func.func @transform_8(%arg0: i32) -> (i32, i32) {
    %c0_i32 = arith.constant 0 : i32
    %c0_i32_0 = arith.constant 0 : i32
    return %arg0, %c0_i32 : i32, i32
  }
  func.func @transform_9(%arg0: i32) -> (i32, i32) {
    %c0_i32 = arith.constant 0 : i32
    %c0_i32_0 = arith.constant 0 : i32
    return %arg0, %c0_i32 : i32, i32
  }
  func.func @transform_10(%arg0: i32) -> (i32, i32) {
    %c0_i32 = arith.constant 0 : i32
    %c0_i32_0 = arith.constant 0 : i32
    return %arg0, %c0_i32 : i32, i32
  }
}

module attributes {stable_mosaic.version = 14 : i64} {
  func.func @_loss_body(%arg0: memref<256x4224xf32, #tpu.memory_space<vmem>>, %arg1: memref<256x4224xf32, #tpu.memory_space<vmem>>, %arg2: memref<1x1xf32, #tpu.memory_space<vmem>>) attributes {dimension_semantics = [], scalar_prefetch = 0 : i64, scratch_operands = 0 : i64, tpu.core_type = #tpu.core_type<tc>} {
    %iota3A = tpu.iota {dimensions = array<i32: 1>} : vector<256x4224xi32>
    %lt3A = arith.constant 4097 : i32
    %lt3A_0 = vector.broadcast %lt3A : i32 to vector<256x4224xi32>
    %lt3A_1 = arith.cmpi slt, %iota3A, %lt3A_0 : vector<256x4224xi32>
    %get3A = arith.constant 0 : index
    %get3A_2 = arith.constant 0 : index
    %get3A_3 = vector.load %arg1[%get3A, %get3A_2] : memref<256x4224xf32, #tpu.memory_space<vmem>>, vector<256x4224xf32>
    %mul3A = arith.constant 14.2857141 : f32
    %mul3A_4 = vector.broadcast %mul3A : f32 to vector<256x4224xf32>
    %mul3A_5 = arith.mulf %get3A_3, %mul3A_4 : vector<256x4224xf32>
    %exp3A = math.exp %mul3A_5 : vector<256x4224xf32>
    %jit3A = arith.constant 0.000000e+00 : f32
    %broadcast_in_dim3A = vector.broadcast %jit3A : f32 to vector<256x4224xf32>
    %select_n3A = arith.select %lt3A_1, %exp3A, %broadcast_in_dim3A : vector<256x4224xi1>, vector<256x4224xf32>
    %reduce_sum3A = vector.shape_cast %select_n3A : vector<256x4224xf32> to vector<1x256x4224xf32>
    %reduce_sum3A_6 = arith.constant dense<0.000000e+00> : vector<1xf32>
    %reduce_sum3A_7 = vector.multi_reduction <add>, %reduce_sum3A, %reduce_sum3A_6 [1, 2] : vector<1x256x4224xf32> to vector<1xf32>
    %reduce_sum3A_8 = vector.shape_cast %reduce_sum3A_7 : vector<1xf32> to vector<1x1x1xf32>
    %reduce_sum3A_9 = vector.extract %reduce_sum3A_8[0, 0, 0] : f32 from vector<1x1x1xf32>
    %mul3A_10 = arith.constant 0.095344156 : f32
    %mul3A_11 = arith.mulf %reduce_sum3A_9, %mul3A_10 : f32
    %div3A = vector.broadcast %mul3A_11 : f32 to vector<256x4224xf32>
    %div3A_12 = arith.divf %select_n3A, %div3A : vector<256x4224xf32>
    %eq3A = arith.constant 0 : i32
    %eq3A_13 = vector.broadcast %eq3A : i32 to vector<256x4224xi32>
    %eq3A_14 = arith.cmpi eq, %iota3A, %eq3A_13 : vector<256x4224xi32>
    %add3A = arith.constant 4.096010e-02 : f32
    %add3A_15 = vector.broadcast %add3A : f32 to vector<256x4224xf32>
    %add3A_16 = arith.addf %div3A_12, %add3A_15 : vector<256x4224xf32>
    %div3A_17 = arith.divf %div3A_12, %add3A_16 : vector<256x4224xf32>
    %log3A = math.log %div3A_17 : vector<256x4224xf32>
    %add3A_18 = arith.constant 4.096010e-02 : f32
    %add3A_19 = vector.broadcast %add3A_18 : f32 to vector<256x4224xf32>
    %add3A_20 = arith.addf %div3A_12, %add3A_19 : vector<256x4224xf32>
    %div3A_21 = arith.constant 4.096000e-02 : f32
    %div3A_22 = vector.broadcast %div3A_21 : f32 to vector<256x4224xf32>
    %div3A_23 = arith.divf %div3A_22, %add3A_20 : vector<256x4224xf32>
    %log3A_24 = math.log %div3A_23 : vector<256x4224xf32>
    %select_n3A_25 = arith.select %eq3A_14, %log3A, %log3A_24 : vector<256x4224xi1>, vector<256x4224xf32>
    %jit3A_26 = arith.constant 0.000000e+00 : f32
    %broadcast_in_dim3A_27 = vector.broadcast %jit3A_26 : f32 to vector<256x4224xf32>
    %select_n3A_28 = arith.select %lt3A_1, %select_n3A_25, %broadcast_in_dim3A_27 : vector<256x4224xi1>, vector<256x4224xf32>
    %reduce_sum3A_29 = vector.shape_cast %select_n3A_28 : vector<256x4224xf32> to vector<1x256x4224xf32>
    %reduce_sum3A_30 = arith.constant dense<0.000000e+00> : vector<1xf32>
    %reduce_sum3A_31 = vector.multi_reduction <add>, %reduce_sum3A_29, %reduce_sum3A_30 [1, 2] : vector<1x256x4224xf32> to vector<1xf32>
    %reduce_sum3A_32 = vector.shape_cast %reduce_sum3A_31 : vector<1xf32> to vector<1x1x1xf32>
    %reduce_sum3A_33 = vector.extract %reduce_sum3A_32[0, 0, 0] : f32 from vector<1x1x1xf32>
    %neg3A = arith.constant 0.000000e+00 : f32
    %neg3A_34 = arith.subf %neg3A, %reduce_sum3A_33 : f32
    %div3A_35 = arith.constant 2.560000e+02 : f32
    %div3A_36 = arith.divf %neg3A_34, %div3A_35 : f32
    %add3A_37 = arith.constant 0.000000e+00 : f32
    %add3A_38 = arith.addf %add3A_37, %div3A_36 : f32
    %get3A_39 = arith.constant 0 : index
    %get3A_40 = arith.constant 0 : index
    %get3A_41 = vector.load %arg0[%get3A_39, %get3A_40] : memref<256x4224xf32, #tpu.memory_space<vmem>>, vector<256x4224xf32>
    %mul3A_42 = arith.constant 14.2857141 : f32
    %mul3A_43 = vector.broadcast %mul3A_42 : f32 to vector<256x4224xf32>
    %mul3A_44 = arith.mulf %get3A_41, %mul3A_43 : vector<256x4224xf32>
    %exp3A_45 = math.exp %mul3A_44 : vector<256x4224xf32>
    %jit3A_46 = arith.constant 0.000000e+00 : f32
    %broadcast_in_dim3A_47 = vector.broadcast %jit3A_46 : f32 to vector<256x4224xf32>
    %select_n3A_48 = arith.select %lt3A_1, %exp3A_45, %broadcast_in_dim3A_47 : vector<256x4224xi1>, vector<256x4224xf32>
    %reduce_sum3A_49 = vector.shape_cast %select_n3A_48 : vector<256x4224xf32> to vector<1x256x4224xf32>
    %reduce_sum3A_50 = arith.constant dense<0.000000e+00> : vector<1xf32>
    %reduce_sum3A_51 = vector.multi_reduction <add>, %reduce_sum3A_49, %reduce_sum3A_50 [1, 2] : vector<1x256x4224xf32> to vector<1xf32>
    %reduce_sum3A_52 = vector.shape_cast %reduce_sum3A_51 : vector<1xf32> to vector<1x1x1xf32>
    %reduce_sum3A_53 = vector.extract %reduce_sum3A_52[0, 0, 0] : f32 from vector<1x1x1xf32>
    %mul3A_54 = arith.constant 0.095344156 : f32
    %mul3A_55 = arith.mulf %reduce_sum3A_53, %mul3A_54 : f32
    %div3A_56 = vector.broadcast %mul3A_55 : f32 to vector<256x4224xf32>
    %div3A_57 = arith.divf %select_n3A_48, %div3A_56 : vector<256x4224xf32>
    %eq3A_58 = arith.constant 0 : i32
    %eq3A_59 = vector.broadcast %eq3A_58 : i32 to vector<256x4224xi32>
    %eq3A_60 = arith.cmpi eq, %iota3A, %eq3A_59 : vector<256x4224xi32>
    %add3A_61 = arith.constant 4.096010e-02 : f32
    %add3A_62 = vector.broadcast %add3A_61 : f32 to vector<256x4224xf32>
    %add3A_63 = arith.addf %div3A_57, %add3A_62 : vector<256x4224xf32>
    %div3A_64 = arith.divf %div3A_57, %add3A_63 : vector<256x4224xf32>
    %log3A_65 = math.log %div3A_64 : vector<256x4224xf32>
    %add3A_66 = arith.constant 4.096010e-02 : f32
    %add3A_67 = vector.broadcast %add3A_66 : f32 to vector<256x4224xf32>
    %add3A_68 = arith.addf %div3A_57, %add3A_67 : vector<256x4224xf32>
    %div3A_69 = arith.constant 4.096000e-02 : f32
    %div3A_70 = vector.broadcast %div3A_69 : f32 to vector<256x4224xf32>
    %div3A_71 = arith.divf %div3A_70, %add3A_68 : vector<256x4224xf32>
    %log3A_72 = math.log %div3A_71 : vector<256x4224xf32>
    %select_n3A_73 = arith.select %eq3A_60, %log3A_65, %log3A_72 : vector<256x4224xi1>, vector<256x4224xf32>
    %jit3A_74 = arith.constant 0.000000e+00 : f32
    %broadcast_in_dim3A_75 = vector.broadcast %jit3A_74 : f32 to vector<256x4224xf32>
    %select_n3A_76 = arith.select %lt3A_1, %select_n3A_73, %broadcast_in_dim3A_75 : vector<256x4224xi1>, vector<256x4224xf32>
    %reduce_sum3A_77 = vector.shape_cast %select_n3A_76 : vector<256x4224xf32> to vector<1x256x4224xf32>
    %reduce_sum3A_78 = arith.constant dense<0.000000e+00> : vector<1xf32>
    %reduce_sum3A_79 = vector.multi_reduction <add>, %reduce_sum3A_77, %reduce_sum3A_78 [1, 2] : vector<1x256x4224xf32> to vector<1xf32>
    %reduce_sum3A_80 = vector.shape_cast %reduce_sum3A_79 : vector<1xf32> to vector<1x1x1xf32>
    %reduce_sum3A_81 = vector.extract %reduce_sum3A_80[0, 0, 0] : f32 from vector<1x1x1xf32>
    %neg3A_82 = arith.constant 0.000000e+00 : f32
    %neg3A_83 = arith.subf %neg3A_82, %reduce_sum3A_81 : f32
    %div3A_84 = arith.constant 2.560000e+02 : f32
    %div3A_85 = arith.divf %neg3A_83, %div3A_84 : f32
    %add3A_86 = arith.addf %add3A_38, %div3A_85 : f32
    %reshape3A = vector.broadcast %add3A_86 : f32 to vector<1x1xf32>
    %swap3A = arith.constant 0 : index
    %swap3A_87 = arith.constant 0 : index
    %swap3A_88 = vector.load %arg2[%swap3A, %swap3A_87] : memref<1x1xf32, #tpu.memory_space<vmem>>, vector<1x1xf32>
    tpu.vector_store %arg2[%swap3A, %swap3A_87], %reshape3A {strides = array<i32>} : memref<1x1xf32, #tpu.memory_space<vmem>>, vector<1x1xf32>,
    return
  }
}

</mosaic_0001>

<sc_bundles>
// kernel: kernel.10.cloned.1.call-start
scs
__scs_entry_jumppad:
0x0: {  	(pc) =	sbr.rel $0x88, $3  }
0x1: {  	(tag) =	ssettag $0x0;
	lr =	simm.s32 $0x1  }
0x2: {  	[smem:$0x3F97] =	sst lr;
	_ =	strace $0xD0000000  }
0x3: {  	_ = 	snop  }
0x4: {  	_ = 	snop  }
0x5: {  	_ = 	snop  }
0x6: {  	_ = 	snop  }
0x7: {  	_ = 	snop  }
__scs_overlays_trampoline_lowered:
0x8: {  	[smem:$0x3FA6] =	sst s0  }
0x9: {  	[smem:$0x3FA7] =	sst s1  }
0xa: {  	[smem:$0x3FA8] =	sst s2  }
0xb: {  	[smem:$0x3FA9] =	sst s3  }
0xc: {  	[smem:$0x3FAA] =	sst s4  }
0xd: {  	[smem:$0x3FAB] =	sst s5  }
0xe: {  	[smem:$0x3FAC] =	sst s6  }
0xf: {  	[smem:$0x3FAD] =	sst s7  }
0x10: {  	[smem:$0x3FAE] =	sst s8  }
0x11: {  	[smem:$0x3FAF] =	sst s9;
	s0 =	simm.s32 @!p0 $0x0  }
0x12: {  	s1 =	sld [smem:$0x3F95];
	s0 =	simm.s32 @p0 $0x1  }
0x13: {  	[smem:$0x3FB0] =	sst s0;
	s0 =	simm.s32 @!p1 $0x0  }
0x14: {  	s2 =	sld [smem:$0x3F94];
	s0 =	simm.s32 @p1 $0x1  }
0x15: {  	[smem:$0x3FB1] =	sst s0;
	s0 =	simm.s32 @!p2 $0x0  }
0x16: {  	s3 =	sld [smem:$0x3FDB];
	s0 =	simm.s32 @p2 $0x1  }
0x17: {  	s4 =	simm.s32 $0x1BF5;
	[smem:$0x3FB3] =	sst s0  }
0x18: {  	s0 =	sld [smem:$0x3F96];
	_ =	swait.ge [sflag:s4], $0x0  }
0x19: {  	s7 =	sld [smem:$0x3F97]  }
0x1a: {  	s8 =	sadd.s32 $0xFFFFE003, lr  }
0x1b: {  	s9 =	sadd.s32 $0xFFFFFEF7, lr;
	s5 =	simm.s32 $0xFFFFFFFF;
	p2 =	slt.u32 s8, $0xFFFFF086  }
0x1c: {  	p1 =	slt.u32 s9, $0xF7A;
	s5 =	simm.s32 @!p2 $0x0  }
0x1d: {  	s5 =	simm.s32 @p1 $0x1;
	p0 =	seq.s32 s7, s2  }
0x1e: {  	s7 =	smul.u32 @!p0 $0xF7A, s2;
	p2 =	seq.s32 @!p0 s5, $0x0  }
0x1f: {  	s9 =	smul.u32 $0xF7A, s1;
	s8 =	simm.s32 @!p0 $0x1BF5;
	p2 =	por !p2, p0  }
0x20: {  	[sflag:s8] =	ssyncset.s32 @!p0 $0xFFFFF086;
	s6 =	sadd.s32 @!p0 s3, s7;
	s7 =	simm.s32 @!p0 $0x108  }
0x21: {  	s3 =	sadd.s32 s3, s9;
	s6 =	sadd.s32 @!p0 $0x88, s6;
	s7 =	simm.s32 @p2 $0x1082  }
0x22: {  	[simem:s7], [sflag:s8] =	dma.local @!p0 [hbm:s6], $0xF7A  }
0x23: {  	s9 =	sor.u32 $0xD0000000, s2;
	s6 =	simm.s32 $0x108;
	_ =	swait.ge @!p0 [sflag:s8], $0x0  }
0x24: {  	s3 =	sadd.s32 $0x88, s3;
	s6 =	simm.s32 @!p1 $0x1082;
	[sflag:s4] =	ssyncset.s32 $0xFFFFF086  }
0x25: {  	[simem:s6], [sflag:s4] =	dma.local [hbm:s3], $0xF7A  }
0x26: {  	[smem:$0x3F97] =	sst s1;
	(tag) =	ssettag s2;
	_ =	strace s9  }
0x27: {  	s1 =	sld [smem:$0x3FA7]  }
0x28: {  	s2 =	sld [smem:$0x3FA8]  }
0x29: {  	s4 =	sld [smem:$0x3FAA]  }
0x2a: {  	p0 =	seq.s32 s5, $0x0;
	s5 =	sld [smem:$0x3FAB]  }
0x2b: {  	s6 =	sld [smem:$0x3FAC]  }
0x2c: {  	s7 =	sld [smem:$0x3FAD]  }
0x2d: {  	s3 =	simm.s32 $0x108;
	s8 =	sld [smem:$0x3FAE]  }
0x2e: {  	s3 =	simm.s32 @!p0 $0x1082;
	s9 =	sld [smem:$0x3FAF]  }
0x2f: {  	lr =	sadd.s32 s0, s3;
	s0 =	sld [smem:$0x3FA6]  }
0x30: {  	s3 =	sld [smem:$0x3FA9]  }
0x31: {  	[smem:$0x3FB2] =	sst s10  }
0x32: {  	s10 =	sld [smem:$0x3FB0];
	_ =	sdelay $0x3  }
0x33: {  	p0 =	seq.s32 s10, $0x1;
	s10 =	sld [smem:$0x3FB2];
	_ =	sdelay $0x3  }
0x34: {  	[smem:$0x3FB2] =	sst s10  }
0x35: {  	s10 =	sld [smem:$0x3FB1];
	_ =	sdelay $0x3  }
0x36: {  	p1 =	seq.s32 s10, $0x1;
	s10 =	sld [smem:$0x3FB2];
	_ =	sdelay $0x3  }
0x37: {  	[smem:$0x3FB2] =	sst s10  }
0x38: {  	s10 =	sld [smem:$0x3FB3]  }
0x39: {  	_ = 	snop;
	(pc) =	sbr.ind lr, $3  }
0x3a: {  	_ = 	snop  }
0x3b: {  	_ = 	snop  }
0x3c: {  	p2 =	seq.s32 s10, $0x1;
	s10 =	sld [smem:$0x3FB2]  }
0x3d: {  	_ =	shalt  }
0x3e: {  	_ =	shalt  }
0x3f: {  	_ =	shalt  }
0x40: {  	_ =	shalt  }
0x41: {  	_ =	shalt  }
0x42: {  	_ =	shalt  }
0x43: {  	_ =	shalt  }
0x44: {  	_ =	shalt  }
0x45: {  	_ =	shalt  }
0x46: {  	_ =	shalt  }
0x47: {  	_ =	shalt  }
0x48: {  	_ =	shalt  }
0x49: {  	_ =	shalt  }
0x4a: {  	_ =	shalt  }
0x4b: {  	_ =	shalt  }
0x4c: {  	_ =	shalt  }
0x4d: {  	_ =	shalt  }
0x4e: {  	_ =	shalt  }
0x4f: {  	_ =	shalt  }
0x50: {  	_ =	shalt  }
0x51: {  	_ =	shalt  }
0x52: {  	_ =	shalt  }
0x53: {  	_ =	shalt  }
0x54: {  	_ =	shalt  }
0x55: {  	_ =	shalt  }
0x56: {  	_ =	shalt  }
0x57: {  	_ =	shalt  }
0x58: {  	_ =	shalt  }
0x59: {  	_ =	shalt  }
0x5a: {  	_ =	shalt  }
0x5b: {  	_ =	shalt  }
0x5c: {  	_ =	shalt  }
0x5d: {  	_ =	shalt  }
0x5e: {  	_ =	shalt  }
0x5f: {  	_ =	shalt  }
0x60: {  	_ =	shalt  }
0x61: {  	_ =	shalt  }
0x62: {  	_ =	shalt  }
0x63: {  	_ =	shalt  }
0x64: {  	_ =	shalt  }
0x65: {  	_ =	shalt  }
0x66: {  	_ =	shalt  }
0x67: {  	_ =	shalt  }
0x68: {  	_ =	shalt  }
0x69: {  	_ =	shalt  }
0x6a: {  	_ =	shalt  }
0x6b: {  	_ =	shalt  }
0x6c: {  	_ =	shalt  }
0x6d: {  	_ =	shalt  }
0x6e: {  	_ =	shalt  }
0x6f: {  	_ =	shalt  }
0x70: {  	_ =	shalt  }
0x71: {  	_ =	shalt  }
0x72: {  	_ =	shalt  }
0x73: {  	_ =	shalt  }
0x74: {  	_ =	shalt  }
0x75: {  	_ =	shalt  }
0x76: {  	_ =	shalt  }
0x77: {  	_ =	shalt  }
0x78: {  	_ =	shalt  }
0x79: {  	_ =	shalt  }
0x7a: {  	_ =	shalt  }
0x7b: {  	_ =	shalt  }
0x7c: {  	_ =	shalt  }
0x7d: {  	_ =	shalt  }
0x7e: {  	_ =	shalt  }
0x7f: {  	_ =	shalt  }
0x80: {  	_ =	shalt  }
0x81: {  	_ =	shalt  }
0x82: {  	_ =	shalt  }
0x83: {  	_ =	shalt  }
0x84: {  	_ =	shalt  }
0x85: {  	_ =	shalt  }
0x86: {  	_ =	shalt  }
0x87: {  	_ =	shalt  }
.Lfunc_end0:
.L_simem_size_0:
called_computation.1_lowered:
.L_overlay_start_0:
0x88: {  	s2 =	sld [smem:$0x3FD9]  }
0x89: {  	s3 =	sld [smem:$0x3FFE];
	_ =	sdelay $0x1  }
0x8a: {  	s1 =	srdreg.scid  }
0x8b: {  	s0 =	sand.u32 $0x1, s1  }
0x8c: {  	s16 =	sshll.u32 s0, $0xA;
	s2 =	sadd.s32 s3, s2  }
0x8d: {  	s2 =	sadd.s32 s2, s16  }
0x8e: {  	[smem:$0x3FBE] =	sst s2  }
0x8f: {  	_ = 	snop  }
0x90: {  	(tm) =	ssettm $0x1  }
0x91: {  	s17 =	sld [smem:$0x3FFB];
	_ =	sdelay $0x3  }
0x92: {  	_ =	strace s17  }
0x93: {  	s2 =	sld [smem:$0x3FFC];
	_ =	sdelay $0x3  }
0x94: {  	_ =	strace s2  }
0x95: {  	s2 =	sld [smem:$0x3FFD];
	_ =	sdelay $0x3  }
0x96: {  	_ =	strace s2  }
0x97: {  	_ =	strace $0x8FFFFFFF  }
0x98: {  	s18 =	sld [smem:$0x3FDB];
	_ =	sdelay $0x1  }
0x99: {  	s19 =	simm.s32 $_scs_section_size  }
0x9a: {  	s4 =	simm.s32 $_size__tile_overlayer_lowered;
	s5 =	simm.s32 $_tile_overlayer_lowered  }
0x9b: {  	s22 =	simm.s32 $0x1BFF;
	s21 =	sshll.u32 s5, $0x1;
	s2 =	sadd.s32 s19, s18  }
0x9c: {  	s6 =	simm.s32 $0x0;
	s20 =	sshll.u32 s4, $0x1;
	s4 =	sadd.s32 s21, s2  }
0x9d: {  	[timem:s6], [sflag:s22] =	dma.local [hbm:s4], s20  }
0x9e: {  	_ =	swait.ge [sflag:s22], s20  }
0x9f: {  	s3 =	ssub.s32 $0x0, s20;
	[sflag:s22] =	ssyncset.done $0x0  }
0xa0: {  	[sflag:s22] =	ssyncadd.s32 s3;
	_ =	sdelay $0x1  }
0xa1: {  	s23 =	simm.s32 $0x1B8B  }
0xa2: {  	_ =	swait.ge [sflag:s23], $0x1  }
0xa3: {  	[sflag:s23] =	ssyncset.done $0x0  }
0xa4: {  	s25 =	simm.s32 $0x1B8E;
	s24 =	sld [smem:$0x3FFE];
	[sflag:s23] =	ssyncadd.s32 $0xFFFFFFFF  }
0xa5: {  	s26 =	simm.s32 $execute0_lowered;
	[smem:$0x3FD2] =	sst s25  }
0xa6: {  	s4 =	sshll.u32 s26, $0x1;
	_ =	strace $0x80000049;
	[dreg:$0x1] =	wrdreg $0xFFFFFFFF  }
0xa7: {  	s28 =	simm.s32 $_size_execute0_lowered;
	s2 =	sadd.s32 s2, s4;
	[dreg:$0x0] =	wrdreg $0x0  }
0xa8: {  	s4 =	sshll.u32 s28, $0x1;
	[dreg:$0x2] =	wrdreg s2  }
0xa9: {  	[dreg:$0x3] =	wrdreg s4  }
0xaa: {  	[dreg:$0x4] =	wrdreg $0xC0  }
0xab: {  	_ =	task [dreg:s6], $0x5FFFF  }
0xac: {  	[dreg:$0x1] =	wrdreg $0xFFFFFFFF  }
0xad: {  	[dreg:$0x0] =	wrdreg $0x60  }
0xae: {  	[dreg:$0x2] =	wrdreg s24  }
0xaf: {  	[dreg:$0x3] =	wrdreg $0x9  }
0xb0: {  	_ =	task.clear_ibuf [dreg:s6], $0x4FFFF;
	_ =	strace $0x90000049  }
0xb1: {  	s29 =	simm.s32 $0x9;
	_ =	strace $0x8000004B  }
0xb2: {  	_ =	swait.ge [sflag:s29], $0x1  }
0xb3: {  	[sflag:s29] =	ssyncadd.s32 $0xFFFFFFFF  }
0xb4: {  	_ =	strace $0x9000004B  }
0xb5: {  	_ =	sfence  }
0xb6: {  	s30 =	sld [smem:$0x0];
	_ =	sdelay $0x2  }
0xb7: {  	s31 =	sshll.u32 s1, $0xD;
	s1 =	sshrl.u32 s1, $0x2  }
0xb8: {  	s3 =	sand.u32 $0x4000, s31;
	s1 =	sadd.s32 s1, s30  }
0xb9: {  	s0 =	sor.u32 s3, s0;
	s1 =	sshll.u32 s1, $0x11  }
0xba: {  	s0 =	sor.u32 s1, s0  }
0xbb: {  	s0 =	sadd.s32 $0x8F2B, s0  }
0xbc: {  	[sflag:s0] =	ssyncadd.remote.s32 $0x1  }
0xbd: {  	_ =	sfence.sel $0xFFFF  }
0xbe: {  	[dreg:$0x0] =	wrdreg $0xFFFFFFFF;
	(pc) =	sbr.abs _section_cstart, $3  }
0xbf: {  	[dreg:$0x1] =	wrdreg $0xFFFFFFFF  }
0xc0: {  	_ =	task.clear_ibuf [dreg:s6], $0x2FFFF;
	_ =	strace $0x9FFFFFFF  }
0xc1: {  	(tm) =	ssettm $0x7FFFFFFF  }
tec
execute0_lowered:
.L_overlay_start_1:
0x0: {  	(tag) =	ssettag $0x1  }
0x1: {  	s0 =	rddreg [dreg:$0x0]  }
0x2: {  	s1 =	srdreg.scid;
	s9 =	stileid.u32;
	s2 =	simm.s32 $0x0  }
0x3: {  	s12 =	simm.s32 $0x80;
	s24 =	simm.s32 $0x900;
	s25 =	simm.s32 $0x1400  }
0x4: {  	s28 =	simm.s32 $0x1480;
	s29 =	simm.s32 $0xA00;
	s30 =	simm.s32 $0xA80  }
0x5: {  	s11 =	simm.s32 $0x1580;
	s31 =	simm.s32 $0x3;
	s13 =	simm.s32 $0x1600  }
0x6: {  	s14 =	simm.s32 $0x1;
	s15 =	simm.s32 $0x2100;
	s16 =	simm.s32 $0x2680  }
0x7: {  	s19 =	simm.s32 $0x0;
	s1 =	sand.u32 $0x1, s1;
	s3 =	sshll.u32 s9, $0x1  }
0x8: {  	[smem:$0x7FF] =	sst s2;
	s4 =	sadd.s32 $0x2A00, s0;
	s5 =	sadd.s32 $0x330E00, s0  }
0x9: {  	s6 =	sadd.s32 $0x351E00, s0;
	s3 =	sor.u32 s1, s3;
	s1 =	ssub.s32 $0x2, s1  }
0xa: {  	p0 =	sgt.u32 s9, $0x7;
	s3 =	smul.u32 $0x8400, s3;
	s7 =	sshrl.u32 s1, $0x1  }
0xb: {  	s9 =	simm.s32 $0x2;
	_ =	strace $0x8000004A;
	s1 =	ssub.s32 s1, s7  }
0xc: {  	s7 =	simm.s32 $0x1500;
	s8 =	sshrl.u32 s3, $0x3;
	s1 =	smax.u32 s1, $0x1  }
0xd: {  	s10 =	sadd.s32 s4, s8;
	s8 =	simm.s32 $0x1AA400;
	[dreg:$0x4] =	wrdreg s1  }
0xe: {  	[dreg:$0x2] =	wrdreg s10;
	s26 =	sadd.s32 $0xB0, s10;
	s8 =	simm.s32 @!p0 $0x23A00  }
0xf: {  	s1 =	simm.s32 $0x4;
	[dreg:$0x3] =	wrdreg s26;
	s10 =	sadd.s32 s8, s0  }
0x10: {  	s8 =	simm.s32 $0x580;
	s26 =	simm.s32 $0x980;
	s0 =	simm.s32 $0x1B80  }
.LBB2_1:
0x11: {  	[dreg:$0x5] =	wrdreg s19  }
0x12: {  	s17 =	rddreg [dreg:$0x2];
	s20 =	simm.s32 $0x7  }
0x13: {  	[tilespmem:s2], [sflag:$0x7] =	stream.linear.gather [hbm4b:s17+s2], $0x580, $0x38;
	[tilespmem:$0x2C00] =	vst v63  }
0x14: {  	_ =	swait.ge [sflag:s20], $0x580  }
0x15: {  	[sflag:s20] =	ssyncset.done $0x0  }
0x16: {  	s21 =	simm.s32 $0xB00;
	[sflag:s20] =	ssyncadd.s32 $0xFFFFFA80  }
0x17: {  	[tilespmem:s21], [sflag:$0x3] =	stream.indirect.gather [hbm4b:s10+s12], $0x1, s2, s12, $0xb8;
	[tilespmem:$0x2C00] =	vst v63  }
0x18: {  	s22 =	simm.s32 $0xB80  }
0x19: {  	[tilespmem:s22], [sflag:$0x3] =	stream.indirect.gather [hbm4b:s10+s12], $0x1, s12, s12, $0xb8;
	[tilespmem:$0x2C00] =	vst v63  }
0x1a: {  	s23 =	simm.s32 $0x100;
	s18 =	simm.s32 $0xC00  }
0x1b: {  	[tilespmem:s18], [sflag:$0x3] =	stream.indirect.gather [hbm4b:s10+s12], $0x1, s23, s12, $0xb8;
	[tilespmem:$0x2C00] =	vst v63  }
0x1c: {  	s19 =	simm.s32 $0xC80;
	s18 =	simm.s32 $0x180  }
0x1d: {  	[tilespmem:s19], [sflag:$0x3] =	stream.indirect.gather [hbm4b:s10+s12], $0x1, s18, s12, $0xb8;
	[tilespmem:$0x2C00] =	vst v63  }
0x1e: {  	s20 =	simm.s32 $0x200;
	s21 =	simm.s32 $0xD00  }
0x1f: {  	[tilespmem:s21], [sflag:$0x3] =	stream.indirect.gather [hbm4b:s10+s12], $0x1, s20, s12, $0xb8;
	[tilespmem:$0x2C00] =	vst v63  }
0x20: {  	s22 =	simm.s32 $0x280;
	s23 =	simm.s32 $0xD80  }
0x21: {  	[tilespmem:s23], [sflag:$0x3] =	stream.indirect.gather [hbm4b:s10+s12], $0x1, s22, s12, $0xb8;
	[tilespmem:$0x2C00] =	vst v63  }
0x22: {  	s18 =	simm.s32 $0x300;
	s19 =	simm.s32 $0xE00  }
0x23: {  	[tilespmem:s19], [sflag:$0x3] =	stream.indirect.gather [hbm4b:s10+s12], $0x1, s18, s12, $0xb8;
	[tilespmem:$0x2C00] =	vst v63  }
0x24: {  	s20 =	simm.s32 $0x380;
	s21 =	simm.s32 $0xE80  }
0x25: {  	[tilespmem:s21], [sflag:$0x3] =	stream.indirect.gather [hbm4b:s10+s12], $0x1, s20, s12, $0xb8;
	[tilespmem:$0x2C00] =	vst v63  }
0x26: {  	s22 =	simm.s32 $0x400;
	s23 =	simm.s32 $0xF00  }
0x27: {  	[tilespmem:s23], [sflag:$0x3] =	stream.indirect.gather [hbm4b:s10+s12], $0x1, s22, s12, $0xb8;
	[tilespmem:$0x2C00] =	vst v63  }
0x28: {  	s19 =	simm.s32 $0x480;
	s20 =	simm.s32 $0xF80  }
0x29: {  	[tilespmem:s20], [sflag:$0x3] =	stream.indirect.gather [hbm4b:s10+s12], $0x1, s19, s12, $0xb8;
	[tilespmem:$0x2C00] =	vst v63  }
0x2a: {  	s21 =	simm.s32 $0x500;
	s22 =	simm.s32 $0x1000  }
0x2b: {  	[tilespmem:s22], [sflag:$0x3] =	stream.indirect.gather [hbm4b:s10+s12], $0x1, s21, s12, $0xb8;
	[tilespmem:$0x2C00] =	vst v63  }
0x2c: {  	s17 =	simm.s32 $0x0;
	s23 =	rddreg [dreg:$0x3]  }
0x2d: {  	[tilespmem:s8], [sflag:$0x2] =	stream.linear.gather [hbm4b:s23+s2], $0x580, $0x38;
	[tilespmem:$0x2C00] =	vst v63  }
.LBB2_2:
0x2e: {  	_ =	swait.ge [sflag:s9], $0x580  }
0x2f: {  	[sflag:s9] =	ssyncset.done $0x0  }
0x30: {  	s18 =	simm.s32 $0x1080;
	[sflag:s9] =	ssyncadd.s32 $0xFFFFFA80  }
0x31: {  	[tilespmem:s18], [sflag:$0x4] =	stream.indirect.gather [hbm4b:s10+s12], $0x1, s8, s12, $0xb8;
	[tilespmem:$0x2C00] =	vst v63  }
0x32: {  	s21 =	simm.s32 $0x600;
	s19 =	simm.s32 $0x1100  }
0x33: {  	[tilespmem:s19], [sflag:$0x4] =	stream.indirect.gather [hbm4b:s10+s12], $0x1, s21, s12, $0xb8;
	[tilespmem:$0x2C00] =	vst v63  }
0x34: {  	s22 =	simm.s32 $0x680;
	s23 =	simm.s32 $0x1180  }
0x35: {  	[tilespmem:s23], [sflag:$0x4] =	stream.indirect.gather [hbm4b:s10+s12], $0x1, s22, s12, $0xb8;
	[tilespmem:$0x2C00] =	vst v63  }
0x36: {  	s20 =	simm.s32 $0x700;
	s21 =	simm.s32 $0x1200  }
0x37: {  	[tilespmem:s21], [sflag:$0x4] =	stream.indirect.gather [hbm4b:s10+s12], $0x1, s20, s12, $0xb8;
	[tilespmem:$0x2C00] =	vst v63  }
0x38: {  	s22 =	simm.s32 $0x780;
	s23 =	simm.s32 $0x1280  }
0x39: {  	[tilespmem:s23], [sflag:$0x4] =	stream.indirect.gather [hbm4b:s10+s12], $0x1, s22, s12, $0xb8;
	[tilespmem:$0x2C00] =	vst v63  }
0x3a: {  	s19 =	simm.s32 $0x800;
	s20 =	simm.s32 $0x1300  }
0x3b: {  	[tilespmem:s20], [sflag:$0x4] =	stream.indirect.gather [hbm4b:s10+s12], $0x1, s19, s12, $0xb8;
	[tilespmem:$0x2C00] =	vst v63  }
0x3c: {  	s21 =	simm.s32 $0x880;
	s22 =	simm.s32 $0x1380  }
0x3d: {  	[tilespmem:s22], [sflag:$0x4] =	stream.indirect.gather [hbm4b:s10+s12], $0x1, s21, s12, $0xb8;
	[tilespmem:$0x2C00] =	vst v63  }
0x3e: {  	_ = 	snop  }
0x3f: {  	[tilespmem:s25], [sflag:$0x4] =	stream.indirect.gather [hbm4b:s10+s12], $0x1, s24, s12, $0xb8;
	[tilespmem:$0x2C00] =	vst v63  }
0x40: {  	s23 =	smul.u32 $0xB00, s17  }
0x41: {  	[tilespmem:s28], [sflag:$0x4] =	stream.indirect.gather [hbm4b:s10+s12], $0x1, s26, s12, $0xb8;
	[tilespmem:$0x2C00] =	vst v63  }
0x42: {  	s19 =	sadd.s32 s3, s23  }
0x43: {  	[tilespmem:s7], [sflag:$0x4] =	stream.indirect.gather [hbm4b:s10+s12], $0x1, s29, s12, $0xb8;
	[tilespmem:$0x2C00] =	vst v63  }
0x44: {  	s18 =	sadd.s32 $0xB00, s19  }
0x45: {  	[tilespmem:s11], [sflag:$0x4] =	stream.indirect.gather [hbm4b:s10+s12], $0x1, s30, s12, $0xb8;
	[tilespmem:$0x2C00] =	vst v63  }
0x46: {  	p0 =	seq.s32 s18, $0x108000;
	s18 =	sshrl.u32 s18, $0x3;
	_ =	swait.ge [sflag:s31], $0x580  }
0x47: {  	s18 =	simm.s32 @p0 $0x0;
	[sflag:s31] =	ssyncset.done $0x0  }
0x48: {  	p0 =	seq.s32 s17, $0x0;
	s18 =	sadd.s32 s4, s18;
	[sflag:s31] =	ssyncadd.s32 $0xFFFFFA80  }
0x49: {  	[tilespmem:s2], [sflag:$0x1] =	stream.linear.gather [hbm4b:s18+s2], $0x580, $0x38;
	[tilespmem:$0x2C00] =	vst v63  }
0x4a: {  	s18 =	simm.s32 @!p0 $0x5  }
0x4b: {  	_ =	swait.ge @!p0 [sflag:s18], $0x580  }
0x4c: {  	s20 =	sadd.s32 $0x1080, s19;
	[sflag:s18] =	ssyncset.done @!p0 $0x0  }
0x4d: {  	s21 =	smulhi.u32 $0x3E0F83E1, s20;
	[sflag:s18] =	ssyncadd.s32 @!p0 $0xFFFFFA80  }
0x4e: {  	_ =	swait.ge @!p0 [sflag:s18], $0x580  }
0x4f: {  	s21 =	sshrl.u32 s21, $0x12;
	[sflag:s18] =	ssyncset.done @!p0 $0x0  }
0x50: {  	s22 =	smul.u32 $0x108000, s21;
	s21 =	simm.s32 $0x0;
	[sflag:s18] =	ssyncadd.s32 @!p0 $0xFFFFFA80  }
0x51: {  	v0 =	vld [tilespmem:s21+$0xB00]  }
0x52: {  	s20 =	ssub.s32 s20, s22;
	s22 =	simm.s32 $0x40;
	s18 =	sadd.s32 $0x580, s19  }
.LBB2_3:
0x53: {  	p1 =	sne.s32 s22, $0x15C0  }
.Ltmp0:
0x54: {  	_ = 	snop;
	(pc) =	sbr.rel @p1 .LBB2_3-.Ltmp0, $4  }
0x55: {  	_ = 	snop  }
0x56: {  	s23 =	sshra.s32 s22, $0x2;
	s22 =	sadd.s32 $0x40, s22;
	v1 =	vshll.u32 v0, $0x10;
	v2 =	vand.u32 $0xFFFF0000, v0  }
0x57: {  	v0 =	vld [tilespmem:s23+$0xB00];
	[tilespmem:s21+$0x1B80] =	vst v2  }
0x58: {  	[tilespmem:s21+$0x1600] =	vst v1;
	s21 =	smov.u32 s23  }
0x59: {  	_ =	sdelay $0x2  }
0x5a: {  	v1 =	vand.u32 $0xFFFF0000, v0  }
0x5b: {  	s19 =	sshrl.u32 s19, $0x3;
	v0 =	vshll.u32 v0, $0x10;
	[tilespmem:s21+$0x1B80] =	vst v1  }
0x5c: {  	s22 =	sadd.s32 s5, s19;
	[tilespmem:s21+$0x1600] =	vst v0  }
0x5d: {  	[hbm4b:s22+s2] =	stream.linear.scatter [tilespmem:s13], [sflag:$0x5], $0x580, $0x38;
	[tilespmem:$0x2C00] =	vst v63  }
0x5e: {  	s19 =	sadd.s32 s6, s19  }
0x5f: {  	[hbm4b:s19+s2] =	stream.linear.scatter [tilespmem:s0], [sflag:$0x5], $0x580, $0x38;
	[tilespmem:$0x2C00] =	vst v63  }
0x60: {  	_ =	swait.ge [sflag:s14], $0x580  }
0x61: {  	[sflag:s14] =	ssyncset.done $0x0  }
0x62: {  	s23 =	simm.s32 $0xB00;
	[sflag:s14] =	ssyncadd.s32 $0xFFFFFA80  }
0x63: {  	[tilespmem:s23], [sflag:$0x3] =	stream.indirect.gather [hbm4b:s10+s12], $0x1, s2, s12, $0xb8;
	[tilespmem:$0x2C00] =	vst v63  }
0x64: {  	s21 =	simm.s32 $0xB80  }
0x65: {  	[tilespmem:s21], [sflag:$0x3] =	stream.indirect.gather [hbm4b:s10+s12], $0x1, s12, s12, $0xb8;
	[tilespmem:$0x2C00] =	vst v63  }
0x66: {  	s22 =	simm.s32 $0x100;
	s23 =	simm.s32 $0xC00  }
0x67: {  	[tilespmem:s23], [sflag:$0x3] =	stream.indirect.gather [hbm4b:s10+s12], $0x1, s22, s12, $0xb8;
	[tilespmem:$0x2C00] =	vst v63  }
0x68: {  	s22 =	simm.s32 $0x180;
	s23 =	simm.s32 $0xC80  }
0x69: {  	[tilespmem:s23], [sflag:$0x3] =	stream.indirect.gather [hbm4b:s10+s12], $0x1, s22, s12, $0xb8;
	[tilespmem:$0x2C00] =	vst v63  }
0x6a: {  	s22 =	simm.s32 $0x200;
	s23 =	simm.s32 $0xD00  }
0x6b: {  	[tilespmem:s23], [sflag:$0x3] =	stream.indirect.gather [hbm4b:s10+s12], $0x1, s22, s12, $0xb8;
	[tilespmem:$0x2C00] =	vst v63  }
0x6c: {  	s22 =	simm.s32 $0x280;
	s23 =	simm.s32 $0xD80  }
0x6d: {  	[tilespmem:s23], [sflag:$0x3] =	stream.indirect.gather [hbm4b:s10+s12], $0x1, s22, s12, $0xb8;
	[tilespmem:$0x2C00] =	vst v63  }
0x6e: {  	s22 =	simm.s32 $0x300;
	s23 =	simm.s32 $0xE00  }
0x6f: {  	[tilespmem:s23], [sflag:$0x3] =	stream.indirect.gather [hbm4b:s10+s12], $0x1, s22, s12, $0xb8;
	[tilespmem:$0x2C00] =	vst v63  }
0x70: {  	s22 =	simm.s32 $0x380;
	s23 =	simm.s32 $0xE80  }
0x71: {  	[tilespmem:s23], [sflag:$0x3] =	stream.indirect.gather [hbm4b:s10+s12], $0x1, s22, s12, $0xb8;
	[tilespmem:$0x2C00] =	vst v63  }
0x72: {  	s22 =	simm.s32 $0x400;
	s23 =	simm.s32 $0xF00  }
0x73: {  	[tilespmem:s23], [sflag:$0x3] =	stream.indirect.gather [hbm4b:s10+s12], $0x1, s22, s12, $0xb8;
	[tilespmem:$0x2C00] =	vst v63  }
0x74: {  	s22 =	simm.s32 $0x480;
	s23 =	simm.s32 $0xF80  }
0x75: {  	[tilespmem:s23], [sflag:$0x3] =	stream.indirect.gather [hbm4b:s10+s12], $0x1, s22, s12, $0xb8;
	[tilespmem:$0x2C00] =	vst v63  }
0x76: {  	s21 =	simm.s32 $0x500;
	s22 =	simm.s32 $0x1000  }
0x77: {  	[tilespmem:s22], [sflag:$0x3] =	stream.indirect.gather [hbm4b:s10+s12], $0x1, s21, s12, $0xb8;
	[tilespmem:$0x2C00] =	vst v63  }
0x78: {  	_ =	swait.ge [sflag:s1], $0x580  }
0x79: {  	s23 =	sshrl.u32 s20, $0x3;
	[sflag:s1] =	ssyncset.done $0x0  }
0x7a: {  	s19 =	sadd.s32 s4, s23;
	[sflag:s1] =	ssyncadd.s32 $0xFFFFFA80  }
0x7b: {  	[tilespmem:s8], [sflag:$0x2] =	stream.linear.gather [hbm4b:s19+s2], $0x580, $0x38;
	[tilespmem:$0x2C00] =	vst v63  }
0x7c: {  	s19 =	simm.s32 @!p0 $0x6  }
0x7d: {  	_ =	swait.ge @!p0 [sflag:s19], $0x580  }
0x7e: {  	[sflag:s19] =	ssyncset.done @!p0 $0x0  }
0x7f: {  	[sflag:s19] =	ssyncadd.s32 @!p0 $0xFFFFFA80  }
0x80: {  	_ =	swait.ge @!p0 [sflag:s19], $0x580  }
0x81: {  	[sflag:s19] =	ssyncset.done @!p0 $0x0  }
0x82: {  	[sflag:s19] =	ssyncadd.s32 @!p0 $0xFFFFFA80;
	s19 =	simm.s32 $0x0  }
0x83: {  	v0 =	vld [tilespmem:s19+$0x1080]  }
0x84: {  	s20 =	simm.s32 $0x40  }
.LBB2_5:
0x85: {  	p0 =	sne.s32 s20, $0x15C0  }
.Ltmp1:
0x86: {  	_ = 	snop;
	(pc) =	sbr.rel @p0 .LBB2_5-.Ltmp1, $4  }
0x87: {  	_ = 	snop  }
0x88: {  	s21 =	sshra.s32 s20, $0x2;
	s20 =	sadd.s32 $0x40, s20;
	v1 =	vshll.u32 v0, $0x10;
	v2 =	vand.u32 $0xFFFF0000, v0  }
0x89: {  	v0 =	vld [tilespmem:s21+$0x1080];
	[tilespmem:s19+$0x2680] =	vst v2  }
0x8a: {  	[tilespmem:s19+$0x2100] =	vst v1;
	s19 =	smov.u32 s21  }
0x8b: {  	_ =	sdelay $0x1  }
0x8c: {  	s17 =	sadd.s32 $0x1, s17  }
0x8d: {  	p0 =	sne.s32 s17, $0xC;
	v1 =	vand.u32 $0xFFFF0000, v0  }
.Ltmp2:
0x8e: {  	s18 =	sshrl.u32 s18, $0x3;
	v63 =	vshll.u32 v0, $0x10;
	[tilespmem:s19+$0x2680] =	vst v1;
	(pc) =	sbr.rel @p0 .LBB2_2-.Ltmp2, $4  }
0x8f: {  	s23 =	sadd.s32 s5, s18;
	[tilespmem:s19+$0x2100] =	vst v63  }
0x90: {  	[hbm4b:s23+s2] =	stream.linear.scatter [tilespmem:s15], [sflag:$0x6], $0x580, $0x38;
	[tilespmem:$0x2C00] =	vst v63  }
0x91: {  	s18 =	sadd.s32 s6, s18  }
0x92: {  	[hbm4b:s18+s2] =	stream.linear.scatter [tilespmem:s16], [sflag:$0x6], $0x580, $0x38;
	[tilespmem:$0x2C00] =	vst v63  }
0x93: {  	_ =	swait.ge [sflag:s9], $0x580  }
0x94: {  	[sflag:s9] =	ssyncset.done $0x0  }
0x95: {  	[sflag:s9] =	ssyncadd.s32 $0xFFFFFA80  }
0x96: {  	_ =	swait.ge [sflag:s31], $0x580  }
0x97: {  	[sflag:s31] =	ssyncset.done $0x0  }
0x98: {  	s17 =	simm.s32 $0x5;
	[sflag:s31] =	ssyncadd.s32 $0xFFFFFA80  }
0x99: {  	_ =	swait.ge [sflag:s17], $0x580  }
0x9a: {  	[sflag:s17] =	ssyncset.done $0x0  }
0x9b: {  	[sflag:s17] =	ssyncadd.s32 $0xFFFFFA80  }
0x9c: {  	_ =	swait.ge [sflag:s17], $0x580  }
0x9d: {  	[sflag:s17] =	ssyncset.done $0x0  }
0x9e: {  	s18 =	simm.s32 $0x6;
	[sflag:s17] =	ssyncadd.s32 $0xFFFFFA80  }
0x9f: {  	_ =	swait.ge [sflag:s18], $0x580  }
0xa0: {  	[sflag:s18] =	ssyncset.done $0x0  }
0xa1: {  	[sflag:s18] =	ssyncadd.s32 $0xFFFFFA80  }
0xa2: {  	_ =	swait.ge [sflag:s18], $0x580  }
0xa3: {  	s19 =	rddreg [dreg:$0x5]  }
0xa4: {  	s23 =	rddreg [dreg:$0x4];
	s19 =	sadd.s32 $0x1, s19  }
0xa5: {  	p0 =	sne.s32 s19, s23  }
.Ltmp3:
0xa6: {  	_ = 	snop;
	(pc) =	sbr.rel @p0 .LBB2_1-.Ltmp3, $3  }
0xa7: {  	_ =	sdelay $0x1  }
0xa8: {  	[sflag:s18] =	ssyncset.done $0x0  }
0xa9: {  	[sflag:s18] =	ssyncadd.s32 $0xFFFFFA80  }
0xaa: {  	_ =	sfence.sel $0x180000  }
0xab: {  	[bflag:$0x0] =	sbarrier.arrive $0xFFFF  }
0xac: {  	_ =	strace $0x9000004A  }
0xad: {  	s0 =	stileid.u32;
	[bflag:$0x2] =	sbarrier.arrive $0xFFFF  }
0xae: {  	p0 =	sne.s32 s0, $0x0;
	s0 =	rddreg [dreg:$0x1]  }
0xaf: {  	s0 =	sadd.s32 @!p0 $0x100000, s0  }
0xb0: {  	[sflag:s0] =	ssyncadd.tile.s32 @!p0 $0x1;
	_ =	shalt  }
.Lfunc_end2:
_tile_overlayer_lowered:
.L_overlay_start_2:
0xb1: {  	(tag) =	ssettag $0x2  }
0xb2: {  	s0 =	rddreg [dreg:$0x0];
	s2 =	stileid.u32  }
0xb3: {  	s1 =	rddreg [dreg:$0x1];
	p0 =	sne.s32 s2, $0x0  }
0xb4: {  	s3 =	rddreg [dreg:$0x2];
	[bflag:$0x3] =	sbarrier.arrive $0xFFFF;
	s2 =	simm.s32 @!p0 $0x1C07  }
0xb5: {  	[timem:s3], [sflag:s2] =	dma.local @!p0 [hbm:s0], s1  }
0xb6: {  	s0 =	simm.s32 @!p0 $0x7  }
0xb7: {  	_ =	swait.ge @!p0 [sflag:s0], s1  }
0xb8: {  	s1 =	ssub.s32 @!p0 $0x0, s1;
	[sflag:s0] =	ssyncset.done @!p0 $0x0  }
0xb9: {  	[sflag:s0] =	ssyncadd.s32 @!p0 s1  }
0xba: {  	[bflag:$0x3] =	sbarrier.arrive $0xFFFF  }
0xbb: {  	_ =	shalt  }

// kernel: kernel.7.cloned.1.call-start
scs
__scs_entry_jumppad:
0x0: {  	(pc) =	sbr.rel $0x88, $3  }
0x1: {  	(tag) =	ssettag $0x0;
	lr =	simm.s32 $0x1  }
0x2: {  	[smem:$0x3F97] =	sst lr;
	_ =	strace $0xD0000000  }
0x3: {  	_ = 	snop  }
0x4: {  	_ = 	snop  }
0x5: {  	_ = 	snop  }
0x6: {  	_ = 	snop  }
0x7: {  	_ = 	snop  }
__scs_overlays_trampoline_lowered:
0x8: {  	[smem:$0x3FA6] =	sst s0  }
0x9: {  	[smem:$0x3FA7] =	sst s1  }
0xa: {  	[smem:$0x3FA8] =	sst s2  }
0xb: {  	[smem:$0x3FA9] =	sst s3  }
0xc: {  	[smem:$0x3FAA] =	sst s4  }
0xd: {  	[smem:$0x3FAB] =	sst s5  }
0xe: {  	[smem:$0x3FAC] =	sst s6  }
0xf: {  	[smem:$0x3FAD] =	sst s7  }
0x10: {  	[smem:$0x3FAE] =	sst s8  }
0x11: {  	[smem:$0x3FAF] =	sst s9;
	s0 =	simm.s32 @!p0 $0x0  }
0x12: {  	s1 =	sld [smem:$0x3F95];
	s0 =	simm.s32 @p0 $0x1  }
0x13: {  	[smem:$0x3FB0] =	sst s0;
	s0 =	simm.s32 @!p1 $0x0  }
0x14: {  	s2 =	sld [smem:$0x3F94];
	s0 =	simm.s32 @p1 $0x1  }
0x15: {  	[smem:$0x3FB1] =	sst s0;
	s0 =	simm.s32 @!p2 $0x0  }
0x16: {  	s3 =	sld [smem:$0x3FDB];
	s0 =	simm.s32 @p2 $0x1  }
0x17: {  	s4 =	simm.s32 $0x1BF5;
	[smem:$0x3FB3] =	sst s0  }
0x18: {  	s0 =	sld [smem:$0x3F96];
	_ =	swait.ge [sflag:s4], $0x0  }
0x19: {  	s7 =	sld [smem:$0x3F97]  }
0x1a: {  	s8 =	sadd.s32 $0xFFFFE003, lr  }
0x1b: {  	s9 =	sadd.s32 $0xFFFFFEF7, lr;
	s5 =	simm.s32 $0xFFFFFFFF;
	p2 =	slt.u32 s8, $0xFFFFF086  }
0x1c: {  	p1 =	slt.u32 s9, $0xF7A;
	s5 =	simm.s32 @!p2 $0x0  }
0x1d: {  	s5 =	simm.s32 @p1 $0x1;
	p0 =	seq.s32 s7, s2  }
0x1e: {  	s7 =	smul.u32 @!p0 $0xF7A, s2;
	p2 =	seq.s32 @!p0 s5, $0x0  }
0x1f: {  	s9 =	smul.u32 $0xF7A, s1;
	s8 =	simm.s32 @!p0 $0x1BF5;
	p2 =	por !p2, p0  }
0x20: {  	[sflag:s8] =	ssyncset.s32 @!p0 $0xFFFFF086;
	s6 =	sadd.s32 @!p0 s3, s7;
	s7 =	simm.s32 @!p0 $0x108  }
0x21: {  	s3 =	sadd.s32 s3, s9;
	s6 =	sadd.s32 @!p0 $0x88, s6;
	s7 =	simm.s32 @p2 $0x1082  }
0x22: {  	[simem:s7], [sflag:s8] =	dma.local @!p0 [hbm:s6], $0xF7A  }
0x23: {  	s9 =	sor.u32 $0xD0000000, s2;
	s6 =	simm.s32 $0x108;
	_ =	swait.ge @!p0 [sflag:s8], $0x0  }
0x24: {  	s3 =	sadd.s32 $0x88, s3;
	s6 =	simm.s32 @!p1 $0x1082;
	[sflag:s4] =	ssyncset.s32 $0xFFFFF086  }
0x25: {  	[simem:s6], [sflag:s4] =	dma.local [hbm:s3], $0xF7A  }
0x26: {  	[smem:$0x3F97] =	sst s1;
	(tag) =	ssettag s2;
	_ =	strace s9  }
0x27: {  	s1 =	sld [smem:$0x3FA7]  }
0x28: {  	s2 =	sld [smem:$0x3FA8]  }
0x29: {  	s4 =	sld [smem:$0x3FAA]  }
0x2a: {  	p0 =	seq.s32 s5, $0x0;
	s5 =	sld [smem:$0x3FAB]  }
0x2b: {  	s6 =	sld [smem:$0x3FAC]  }
0x2c: {  	s7 =	sld [smem:$0x3FAD]  }
0x2d: {  	s3 =	simm.s32 $0x108;
	s8 =	sld [smem:$0x3FAE]  }
0x2e: {  	s3 =	simm.s32 @!p0 $0x1082;
	s9 =	sld [smem:$0x3FAF]  }
0x2f: {  	lr =	sadd.s32 s0, s3;
	s0 =	sld [smem:$0x3FA6]  }
0x30: {  	s3 =	sld [smem:$0x3FA9]  }
0x31: {  	[smem:$0x3FB2] =	sst s10  }
0x32: {  	s10 =	sld [smem:$0x3FB0];
	_ =	sdelay $0x3  }
0x33: {  	p0 =	seq.s32 s10, $0x1;
	s10 =	sld [smem:$0x3FB2];
	_ =	sdelay $0x3  }
0x34: {  	[smem:$0x3FB2] =	sst s10  }
0x35: {  	s10 =	sld [smem:$0x3FB1];
	_ =	sdelay $0x3  }
0x36: {  	p1 =	seq.s32 s10, $0x1;
	s10 =	sld [smem:$0x3FB2];
	_ =	sdelay $0x3  }
0x37: {  	[smem:$0x3FB2] =	sst s10  }
0x38: {  	s10 =	sld [smem:$0x3FB3]  }
0x39: {  	_ = 	snop;
	(pc) =	sbr.ind lr, $3  }
0x3a: {  	_ = 	snop  }
0x3b: {  	_ = 	snop  }
0x3c: {  	p2 =	seq.s32 s10, $0x1;
	s10 =	sld [smem:$0x3FB2]  }
0x3d: {  	_ =	shalt  }
0x3e: {  	_ =	shalt  }
0x3f: {  	_ =	shalt  }
0x40: {  	_ =	shalt  }
0x41: {  	_ =	shalt  }
0x42: {  	_ =	shalt  }
0x43: {  	_ =	shalt  }
0x44: {  	_ =	shalt  }
0x45: {  	_ =	shalt  }
0x46: {  	_ =	shalt  }
0x47: {  	_ =	shalt  }
0x48: {  	_ =	shalt  }
0x49: {  	_ =	shalt  }
0x4a: {  	_ =	shalt  }
0x4b: {  	_ =	shalt  }
0x4c: {  	_ =	shalt  }
0x4d: {  	_ =	shalt  }
0x4e: {  	_ =	shalt  }
0x4f: {  	_ =	shalt  }
0x50: {  	_ =	shalt  }
0x51: {  	_ =	shalt  }
0x52: {  	_ =	shalt  }
0x53: {  	_ =	shalt  }
0x54: {  	_ =	shalt  }
0x55: {  	_ =	shalt  }
0x56: {  	_ =	shalt  }
0x57: {  	_ =	shalt  }
0x58: {  	_ =	shalt  }
0x59: {  	_ =	shalt  }
0x5a: {  	_ =	shalt  }
0x5b: {  	_ =	shalt  }
0x5c: {  	_ =	shalt  }
0x5d: {  	_ =	shalt  }
0x5e: {  	_ =	shalt  }
0x5f: {  	_ =	shalt  }
0x60: {  	_ =	shalt  }
0x61: {  	_ =	shalt  }
0x62: {  	_ =	shalt  }
0x63: {  	_ =	shalt  }
0x64: {  	_ =	shalt  }
0x65: {  	_ =	shalt  }
0x66: {  	_ =	shalt  }
0x67: {  	_ =	shalt  }
0x68: {  	_ =	shalt  }
0x69: {  	_ =	shalt  }
0x6a: {  	_ =	shalt  }
0x6b: {  	_ =	shalt  }
0x6c: {  	_ =	shalt  }
0x6d: {  	_ =	shalt  }
0x6e: {  	_ =	shalt  }
0x6f: {  	_ =	shalt  }
0x70: {  	_ =	shalt  }
0x71: {  	_ =	shalt  }
0x72: {  	_ =	shalt  }
0x73: {  	_ =	shalt  }
0x74: {  	_ =	shalt  }
0x75: {  	_ =	shalt  }
0x76: {  	_ =	shalt  }
0x77: {  	_ =	shalt  }
0x78: {  	_ =	shalt  }
0x79: {  	_ =	shalt  }
0x7a: {  	_ =	shalt  }
0x7b: {  	_ =	shalt  }
0x7c: {  	_ =	shalt  }
0x7d: {  	_ =	shalt  }
0x7e: {  	_ =	shalt  }
0x7f: {  	_ =	shalt  }
0x80: {  	_ =	shalt  }
0x81: {  	_ =	shalt  }
0x82: {  	_ =	shalt  }
0x83: {  	_ =	shalt  }
0x84: {  	_ =	shalt  }
0x85: {  	_ =	shalt  }
0x86: {  	_ =	shalt  }
0x87: {  	_ =	shalt  }
.Lfunc_end0:
.L_simem_size_0:
called_computation_lowered:
.L_overlay_start_0:
0x88: {  	s2 =	sld [smem:$0x3FD9]  }
0x89: {  	s3 =	sld [smem:$0x3FFE];
	_ =	sdelay $0x1  }
0x8a: {  	s1 =	srdreg.scid  }
0x8b: {  	s0 =	sand.u32 $0x1, s1  }
0x8c: {  	s15 =	sshll.u32 s0, $0xA;
	s2 =	sadd.s32 s3, s2  }
0x8d: {  	s2 =	sadd.s32 s2, s15  }
0x8e: {  	[smem:$0x3FBE] =	sst s2  }
0x8f: {  	_ = 	snop  }
0x90: {  	s2 =	sld [smem:$0x3FD0]  }
0x91: {  	s16 =	sld [smem:$0x3FC7]  }
0x92: {  	s4 =	sld [smem:$0x3FC1]  }
0x93: {  	s6 =	simm.s32 $0xA;
	s7 =	simm.s32 $0x10;
	s5 =	sld [smem:$0x3FC0]  }
0x94: {  	[smem:s7], [sflag:s6] =	dma.local [hbm:s2], $0x1  }
0x95: {  	_ =	swait.eq [sflag:s6], $0x1  }
0x96: {  	[sflag:s6] =	ssyncset.done $0x0  }
0x97: {  	s17 =	sld [smem:$0x11];
	[sflag:s6] =	ssyncadd.s32 $0xFFFFFFFF  }
0x98: {  	s18 =	sld [smem:$0x12];
	(tm) =	ssettm $0x1  }
0x99: {  	s19 =	sld [smem:$0x3FFB];
	_ =	sdelay $0x3  }
0x9a: {  	_ =	strace s19  }
0x9b: {  	s7 =	sld [smem:$0x3FFC];
	_ =	sdelay $0x3  }
0x9c: {  	_ =	strace s7  }
0x9d: {  	s7 =	sld [smem:$0x3FFD];
	_ =	sdelay $0x3  }
0x9e: {  	_ =	strace s7  }
0x9f: {  	_ =	strace $0x8FFFFFFF  }
0xa0: {  	s20 =	sld [smem:$0x3FDB];
	_ =	sdelay $0x1  }
0xa1: {  	s8 =	simm.s32 $_scs_section_size  }
0xa2: {  	s9 =	simm.s32 $_size__tile_overlayer_lowered;
	s10 =	simm.s32 $_tile_overlayer_lowered  }
0xa3: {  	s23 =	simm.s32 $0x1BFF;
	s22 =	sshll.u32 s10, $0x1;
	s7 =	sadd.s32 s8, s20  }
0xa4: {  	s11 =	simm.s32 $0x0;
	s21 =	sshll.u32 s9, $0x1;
	s9 =	sadd.s32 s22, s7  }
0xa5: {  	[timem:s11], [sflag:s23] =	dma.local [hbm:s9], s21  }
0xa6: {  	_ =	swait.ge [sflag:s23], s21  }
0xa7: {  	s8 =	ssub.s32 $0x0, s21;
	[sflag:s23] =	ssyncset.done $0x0  }
0xa8: {  	[sflag:s23] =	ssyncadd.s32 s8;
	_ =	sdelay $0x1  }
0xa9: {  	s24 =	simm.s32 $0x1B8B  }
0xaa: {  	_ =	swait.ge [sflag:s24], $0x1  }
0xab: {  	[sflag:s24] =	ssyncset.done $0x0  }
0xac: {  	s25 =	simm.s32 $0x1B8E;
	[sflag:s24] =	ssyncadd.s32 $0xFFFFFFFF  }
0xad: {  	s26 =	simm.s32 $execute0_lowered;
	[smem:$0x3FD2] =	sst s25  }
0xae: {  	s8 =	sshll.u32 s26, $0x1;
	_ =	strace $0x80000046;
	[dreg:$0x1] =	wrdreg $0xFFFFFFFF  }
0xaf: {  	s28 =	simm.s32 $_size_execute0_lowered;
	s7 =	sadd.s32 s7, s8;
	[dreg:$0x0] =	wrdreg $0x0  }
0xb0: {  	s8 =	sshll.u32 s28, $0x1;
	[dreg:$0x2] =	wrdreg s7  }
0xb1: {  	[dreg:$0x3] =	wrdreg s8  }
0xb2: {  	[dreg:$0x4] =	wrdreg $0xC0  }
0xb3: {  	_ =	task [dreg:s11], $0x5FFFF  }
0xb4: {  	[dreg:$0x1] =	wrdreg $0xFFFFFFFF  }
0xb5: {  	[dreg:$0x0] =	wrdreg $0x60  }
0xb6: {  	[dreg:$0x2] =	wrdreg s4  }
0xb7: {  	[dreg:$0x3] =	wrdreg s5  }
0xb8: {  	[dreg:$0x4] =	wrdreg s16  }
0xb9: {  	[dreg:$0x5] =	wrdreg s18  }
0xba: {  	[dreg:$0x6] =	wrdreg s17  }
0xbb: {  	[dreg:$0x7] =	wrdreg $0x9  }
0xbc: {  	_ =	task.clear_ibuf [dreg:s11], $0x8FFFF;
	_ =	strace $0x90000046  }
0xbd: {  	s29 =	simm.s32 $0x9;
	_ =	strace $0x80000048  }
0xbe: {  	_ =	swait.ge [sflag:s29], $0x1  }
0xbf: {  	[sflag:s29] =	ssyncadd.s32 $0xFFFFFFFF  }
0xc0: {  	_ =	strace $0x90000048  }
0xc1: {  	_ =	sfence  }
0xc2: {  	s30 =	sld [smem:$0x0];
	_ =	sdelay $0x2  }
0xc3: {  	s31 =	sshll.u32 s1, $0xD;
	s1 =	sshrl.u32 s1, $0x2  }
0xc4: {  	s3 =	sand.u32 $0x4000, s31;
	s1 =	sadd.s32 s1, s30  }
0xc5: {  	s0 =	sor.u32 s3, s0;
	s1 =	sshll.u32 s1, $0x11  }
0xc6: {  	s0 =	sor.u32 s1, s0  }
0xc7: {  	s0 =	sadd.s32 $0x8F2B, s0  }
0xc8: {  	[sflag:s0] =	ssyncadd.remote.s32 $0x1  }
0xc9: {  	_ =	sfence.sel $0xFFFF  }
0xca: {  	[dreg:$0x0] =	wrdreg $0xFFFFFFFF;
	(pc) =	sbr.abs _section_cstart, $3  }
0xcb: {  	[dreg:$0x1] =	wrdreg $0xFFFFFFFF  }
0xcc: {  	_ =	task.clear_ibuf [dreg:s11], $0x2FFFF;
	_ =	strace $0x9FFFFFFF  }
0xcd: {  	(tm) =	ssettm $0x7FFFFFFF  }
tec
execute0_lowered:
.L_overlay_start_1:
0x0: {  	(tag) =	ssettag $0x1  }
0x1: {  	s1 =	rddreg [dreg:$0x0]  }
0x2: {  	s2 =	rddreg [dreg:$0x1]  }
0x3: {  	s5 =	rddreg [dreg:$0x2];
	s3 =	srdreg.scid  }
0x4: {  	s12 =	rddreg [dreg:$0x3];
	s0 =	stileid.u32;
	s13 =	sand.u32 $0x1, s3  }
0x5: {  	s14 =	rddreg [dreg:$0x4];
	s6 =	sshll.u32 s0, $0x4;
	s7 =	sshll.u32 s13, $0x3  }
0x6: {  	s4 =	simm.s32 $0x0;
	s3 =	rddreg [dreg:$0x5];
	s15 =	sor.u32 s7, s6  }
0x7: {  	[smem:$0x7FF] =	sst s4;
	s6 =	sshrl.u32 s15, $0x3  }
0x8: {  	_ =	strace $0x80000047;
	s6 =	sadd.s32 s5, s6;
	s5 =	simm.s32 $0x3  }
0x9: {  	[tilespmem:s4], [sflag:$0x3] =	stream.linear.gather [hbm4b:s6+s4], $0x8, $0x38;
	[tilespmem:$0x880] =	vst v63  }
0xa: {  	_ =	swait.ge [sflag:s5], $0x8  }
0xb: {  	[sflag:s5] =	ssyncset.done $0x0  }
0xc: {  	s8 =	simm.s32 $0x80;
	s7 =	simm.s32 $0x8;
	[sflag:s5] =	ssyncadd.s32 $0xFFFFFFF8  }
0xd: {  	[tilespmem:s8], [sflag:$0x1] =	stream.indirect.gather [hbm4b:s1+s7], $0x80, s4, s7, $0xb8;
	[tilespmem:$0x880] =	vst v63  }
0xe: {  	s9 =	simm.s32 $0x480;
	s10 =	simm.s32 $0x1  }
0xf: {  	[tilespmem:s9], [sflag:$0x2] =	stream.indirect.gather [hbm4b:s2+s7], $0x80, s4, s7, $0xb8;
	[tilespmem:$0x880] =	vst v63  }
0x10: {  	_ =	swait.ge [sflag:s10], $0x400  }
0x11: {  	[sflag:s10] =	ssyncset.done $0x0  }
0x12: {  	s11 =	simm.s32 $0x2;
	s13 =	ssub.s32 $0x2, s13;
	[sflag:s10] =	ssyncadd.s32 $0xFFFFFC00  }
0x13: {  	s16 =	sshrl.u32 s13, $0x1;
	_ =	swait.ge [sflag:s11], $0x400  }
0x14: {  	s15 =	sshll.u32 s15, $0x4;
	s16 =	ssub.s32 s13, s16;
	[sflag:s11] =	ssyncset.done $0x0  }
0x15: {  	s12 =	sadd.s32 s12, s15;
	s31 =	smax.u32 s16, $0x1;
	[sflag:s11] =	ssyncadd.s32 $0xFFFFFC00  }
0x16: {  	[hbm4b:s12+s4] =	stream.linear.scatter [tilespmem:s8], [sflag:$0x3], $0x400, $0x38;
	[tilespmem:$0x880] =	vst v63  }
0x17: {  	p0 =	sne.s32 s31, $0x1;
	_ =	swait.ge [sflag:s5], $0x400  }
.Ltmp0:
0x18: {  	[sflag:s5] =	ssyncset.done $0x0;
	(pc) =	sbr.rel @!p0 .LBB2_2-.Ltmp0, $4  }
0x19: {  	s13 =	sadd.s32 s14, s15;
	[sflag:s5] =	ssyncadd.s32 $0xFFFFFC00  }
0x1a: {  	[hbm4b:s13+s4] =	stream.linear.scatter [tilespmem:s9], [sflag:$0x3], $0x400, $0x38;
	[tilespmem:$0x880] =	vst v63  }
0x1b: {  	_ =	swait.ge [sflag:s5], $0x400  }
0x1c: {  	s14 =	sadd.s32 $0xFFFFFFFF, s31;
	[sflag:s5] =	ssyncset.done $0x0  }
.LBB2_1:
0x1d: {  	p0 =	sne.s32 s14, $0x1;
	s14 =	sadd.s32 $0xFFFFFFFF, s14;
	[sflag:s5] =	ssyncadd.s32 $0xFFFFFC00  }
0x1e: {  	[tilespmem:s4], [sflag:$0x3] =	stream.linear.gather [hbm4b:s6+s4], $0x8, $0x38;
	[tilespmem:$0x880] =	vst v63  }
0x1f: {  	_ =	swait.ge [sflag:s5], $0x8  }
0x20: {  	[sflag:s5] =	ssyncset.done $0x0  }
0x21: {  	[sflag:s5] =	ssyncadd.s32 $0xFFFFFFF8  }
0x22: {  	[tilespmem:s8], [sflag:$0x1] =	stream.indirect.gather [hbm4b:s1+s7], $0x80, s4, s7, $0xb8;
	[tilespmem:$0x880] =	vst v63  }
0x23: {  	_ = 	snop  }
0x24: {  	[tilespmem:s9], [sflag:$0x2] =	stream.indirect.gather [hbm4b:s2+s7], $0x80, s4, s7, $0xb8;
	[tilespmem:$0x880] =	vst v63  }
0x25: {  	_ =	swait.ge [sflag:s10], $0x400  }
0x26: {  	[sflag:s10] =	ssyncset.done $0x0  }
0x27: {  	[sflag:s10] =	ssyncadd.s32 $0xFFFFFC00  }
0x28: {  	_ =	swait.ge [sflag:s11], $0x400  }
0x29: {  	[sflag:s11] =	ssyncset.done $0x0  }
0x2a: {  	[sflag:s11] =	ssyncadd.s32 $0xFFFFFC00  }
0x2b: {  	[hbm4b:s12+s4] =	stream.linear.scatter [tilespmem:s8], [sflag:$0x3], $0x400, $0x38;
	[tilespmem:$0x880] =	vst v63  }
0x2c: {  	_ =	swait.ge [sflag:s5], $0x400  }
.Ltmp1:
0x2d: {  	[sflag:s5] =	ssyncset.done $0x0;
	(pc) =	sbr.rel @p0 .LBB2_1-.Ltmp1, $4  }
0x2e: {  	[sflag:s5] =	ssyncadd.s32 $0xFFFFFC00  }
0x2f: {  	[hbm4b:s13+s4] =	stream.linear.scatter [tilespmem:s9], [sflag:$0x3], $0x400, $0x38;
	[tilespmem:$0x880] =	vst v63  }
0x30: {  	_ =	swait.ge [sflag:s5], $0x400  }
0x31: {  	[sflag:s5] =	ssyncset.done $0x0  }
.LBB2_2:
0x32: {  	[sflag:s5] =	ssyncadd.s32 $0xFFFFFC00  }
0x33: {  	_ =	sfence.sel $0x180000  }
0x34: {  	[bflag:$0x0] =	sbarrier.arrive $0xFFFF  }
0x35: {  	p0 =	sne.s32 s0, $0x0;
	_ =	strace $0x90000047  }
0x36: {  	s0 =	sadd.s32 @!p0 $0x100000, s3;
	[bflag:$0x2] =	sbarrier.arrive $0xFFFF  }
0x37: {  	[sflag:s0] =	ssyncadd.tile.s32 @!p0 $0x1;
	_ =	shalt  }
.Lfunc_end2:
_tile_overlayer_lowered:
.L_overlay_start_2:
0x38: {  	(tag) =	ssettag $0x2  }
0x39: {  	s0 =	rddreg [dreg:$0x0];
	s2 =	stileid.u32  }
0x3a: {  	s1 =	rddreg [dreg:$0x1];
	p0 =	sne.s32 s2, $0x0  }
0x3b: {  	s3 =	rddreg [dreg:$0x2];
	[bflag:$0x3] =	sbarrier.arrive $0xFFFF;
	s2 =	simm.s32 @!p0 $0x1C03  }
0x3c: {  	[timem:s3], [sflag:s2] =	dma.local @!p0 [hbm:s0], s1  }
0x3d: {  	s0 =	simm.s32 @!p0 $0x3  }
0x3e: {  	_ =	swait.ge @!p0 [sflag:s0], s1  }
0x3f: {  	s1 =	ssub.s32 @!p0 $0x0, s1;
	[sflag:s0] =	ssyncset.done @!p0 $0x0  }
0x40: {  	[sflag:s0] =	ssyncadd.s32 @!p0 s1  }
0x41: {  	[bflag:$0x3] =	sbarrier.arrive $0xFFFF  }
0x42: {  	_ =	shalt  }

</sc_bundles>
